<compile_context>
chip_gen: v7x
topology: tpu7x:2x2x1
jax: 0.10.2.dev20260603
libtpu: 0.0.44.dev20260713+nightly
codegen_flags: <defaults>
</compile_context>

<pallas_src>
import functools

import jax
import jax.numpy as jnp
from jax import lax
from jax.experimental import pallas as pl
from jax.experimental.pallas import tpu as pltpu
from jax.experimental.pallas import tpu_sc as plsc

_NC = 2
_NS = 16
_NW = _NC * _NS
_CH = 8
_NBUF = 3


def _make_sc_add(B, S, D):
    rows_per_w = S // _NW
    n_chunks = rows_per_w // _CH
    chunk_vecs = _CH * D // 16
    mesh = plsc.VectorSubcoreMesh(core_axis_name="c", subcore_axis_name="s")

    @functools.partial(
        pl.kernel,
        out_type=jax.ShapeDtypeStruct((B, S, D), jnp.float32),
        mesh=mesh,
        scratch_types=[
            [pltpu.VMEM((_CH, D), jnp.float32) for _ in range(_NBUF)],
            [pltpu.VMEM((B, _CH, D), jnp.float32) for _ in range(_NBUF)],
            [pltpu.SemaphoreType.DMA for _ in range(_NBUF)],
            [pltpu.SemaphoreType.DMA for _ in range(_NBUF)],
        ],
    )
    def sc_add(x_hbm, t_hbm, o_hbm, tvs, xvs, in_sems, out_sems):
        wid = lax.axis_index("c") * _NS + lax.axis_index("s")
        row0 = wid * rows_per_w

        def in_copies(g, k):
            r = row0 + g * _CH
            yield pltpu.make_async_copy(
                t_hbm.at[pl.ds(r, _CH), :], tvs[k], in_sems[k])
            yield pltpu.make_async_copy(
                x_hbm.at[:, pl.ds(r, _CH), :], xvs[k], in_sems[k])

        def out_copies(g, k):
            r = row0 + g * _CH
            yield pltpu.make_async_copy(
                xvs[k], o_hbm.at[:, pl.ds(r, _CH), :], out_sems[k])

        def start_in(g, k):
            for c in in_copies(g, k):
                c.start()

        start_in(0, 0)

        n_steps = -(-n_chunks // _NBUF) * _NBUF

        @pl.loop(0, n_steps, step=_NBUF)
        def outer(g0):
            for k in range(_NBUF):
                g = g0 + k
                kn = (k + 1) % _NBUF
                @pl.when(g < n_chunks)
                def _step():
                    @pl.when(g + 1 < n_chunks)
                    def _():
                        @pl.when(g + 1 >= _NBUF)
                        def _():
                            for c in out_copies(g + 1 - _NBUF, kn):
                                c.wait()
                        start_in(g + 1, kn)

                    for c in in_copies(g, k):
                        c.wait()

                    @plsc.parallel_loop(0, chunk_vecs, unroll=4)
                    def add(i):
                        r = i // (D // 16)
                        cc = (i % (D // 16)) * 16
                        t = tvs[k][r, pl.ds(cc, 16)]
                        for b in range(B):
                            plsc.addupdate(xvs[k].at[b, r, pl.ds(cc, 16)], t)

                    for c in out_copies(g, k):
                        c.start()

        for g in range(max(0, n_chunks - _NBUF), n_chunks):
            for c in out_copies(g, g % _NBUF):
                c.wait()

    return sc_add


def kernel(x, pos_table):
    B, S, D = x.shape
    return _make_sc_add(B, S, D)(x, pos_table)

# --- scband reference (transcript-rebuilt; emitter-appended) ---
"""Pipeline reference for scband-learned-positional-encoding-15650860827327 (READ-ONLY COPY).

The authoritative reference and input builder live on the scoring server;
editing this copy changes nothing except your own understanding.
"""

import jax, jax.numpy as jnp
import numpy as np

D_MODEL = 1024
MAX_LEN = 8192
BATCH = 4
SEQ_LEN = 8192

def setup_inputs(seed: int = 0) -> dict:
    key = jax.random.key(seed)
    kx, kw = jax.random.split(key)
    x = jax.random.normal(kx, (BATCH, SEQ_LEN, D_MODEL), dtype=jnp.float32)
    # learned positional embedding table, nn.Embedding default init ~ N(0,1)
    pos_table = jax.random.normal(kw, (MAX_LEN, D_MODEL), dtype=jnp.float32)
    return {"x": x, "pos_table": pos_table}

def reference(x, pos_table):
    batch_size, seq_len, _ = x.shape
    positions = jnp.arange(seq_len)  # (seq_len,)
    positions = jnp.broadcast_to(positions[None, :], (batch_size, seq_len))  # (B, S)
    pos_emb = jnp.take(pos_table, positions, axis=0)  # (B, S, d_model) gather
    return x + pos_emb

if __name__ == "__main__":
    import jax
    _d = setup_inputs()
    print(jax.jit(kernel)(*tuple(_d.values())))

</pallas_src>

<mosaic_0001>
#map = affine_map<(d0, d1) -> (0, 0, 0)>
#map1 = affine_map<(d0, d1) -> (0, 0)>
module attributes {stable_mosaic.version = 14 : i64} {
  func.func @sc_add(%arg0: i32, %arg1: i32, %arg2: memref<4x8192x1024xf32, #tpu.memory_space<hbm>>, %arg3: memref<8192x1024xf32, #tpu.memory_space<hbm>>, %arg4: memref<4x8192x1024xf32, #tpu.memory_space<hbm>>, %arg5: memref<8x1024xf32, #tpu.memory_space<vmem>>, %arg6: memref<8x1024xf32, #tpu.memory_space<vmem>>, %arg7: memref<8x1024xf32, #tpu.memory_space<vmem>>, %arg8: memref<4x8x1024xf32, #tpu.memory_space<vmem>>, %arg9: memref<4x8x1024xf32, #tpu.memory_space<vmem>>, %arg10: memref<4x8x1024xf32, #tpu.memory_space<vmem>>, %arg11: memref<!tpu.dma_semaphore, #tpu.memory_space<semaphore_mem>>, %arg12: memref<!tpu.dma_semaphore, #tpu.memory_space<semaphore_mem>>, %arg13: memref<!tpu.dma_semaphore, #tpu.memory_space<semaphore_mem>>, %arg14: memref<!tpu.dma_semaphore, #tpu.memory_space<semaphore_mem>>, %arg15: memref<!tpu.dma_semaphore, #tpu.memory_space<semaphore_mem>>, %arg16: memref<!tpu.dma_semaphore, #tpu.memory_space<semaphore_mem>>) attributes {dimension_semantics = [#tpu.dimension_semantics<core_parallel>, #tpu.dimension_semantics<subcore_parallel>], iteration_bounds = array<i64: 2, 16>, scalar_prefetch = 0 : i64, scratch_operands = 12 : i64, tpu.core_type = #tpu.core_type<sc_vector_subcore>, window_params = [{transform_indices = #map}, {transform_indices = #map1}, {transform_indices = #map}]} {
    %mul3A = arith.constant 16 : i32
    %mul3A_0 = arith.muli %arg0, %mul3A : i32
    %add3A = arith.addi %mul3A_0, %arg1 : i32
    %mul3A_1 = arith.constant 256 : i32
    %mul3A_2 = arith.muli %add3A, %mul3A_1 : i32
    %add3A_3 = arith.constant 0 : i32
    %add3A_4 = arith.addi %mul3A_2, %add3A_3 : i32
    %dma_start3A = arith.constant 0 : i32
    %dma_start3A_5 = tpu.memref_slice %arg3[%add3A_4, %dma_start3A] : memref<8192x1024xf32, #tpu.memory_space<hbm>> -> memref<8x1024xf32, #tpu.memory_space<hbm>>
    %dma_start3A_6 = arith.constant 0 : i32
    %dma_start3A_7 = tpu.memref_slice %arg3[%add3A_4, %dma_start3A_6] : memref<8192x1024xf32, #tpu.memory_space<hbm>> -> memref<8x1024xf32, #tpu.memory_space<hbm>>
    tpu.enqueue_dma source(%dma_start3A_7 : memref<8x1024xf32, #tpu.memory_space<hbm>>) target(%arg5 : memref<8x1024xf32, #tpu.memory_space<vmem>>) target_semaphore(%arg11 : memref<!tpu.dma_semaphore, #tpu.memory_space<semaphore_mem>>)
    %dma_start3A_8 = arith.constant 0 : i32
    %dma_start3A_9 = arith.constant 0 : i32
    %dma_start3A_10 = tpu.memref_slice %arg2[%dma_start3A_8, %add3A_4, %dma_start3A_9] : memref<4x8192x1024xf32, #tpu.memory_space<hbm>> -> memref<4x8x1024xf32, #tpu.memory_space<hbm>>
    %dma_start3A_11 = arith.constant 0 : i32
    %dma_start3A_12 = arith.constant 0 : i32
    %dma_start3A_13 = tpu.memref_slice %arg2[%dma_start3A_11, %add3A_4, %dma_start3A_12] : memref<4x8192x1024xf32, #tpu.memory_space<hbm>> -> memref<4x8x1024xf32, #tpu.memory_space<hbm>>
    tpu.enqueue_dma source(%dma_start3A_13 : memref<4x8x1024xf32, #tpu.memory_space<hbm>>) target(%arg8 : memref<4x8x1024xf32, #tpu.memory_space<vmem>>) target_semaphore(%arg11 : memref<!tpu.dma_semaphore, #tpu.memory_space<semaphore_mem>>)
    %scan3A = arith.constant 0 : i32
    %scan3A_14 = arith.constant 11 : i32
    %scan3A_15 = arith.addi %scan3A, %scan3A_14 : i32
    %scan3A_16 = arith.constant 1 : i32
    scf.for %scan3A_41 = %scan3A to %scan3A_15 step %scan3A_16  : i32 {
      %mul3A_42 = arith.constant 3 : i32
      %mul3A_43 = arith.muli %scan3A_41, %mul3A_42 : i32
      %add3A_44 = arith.constant 0 : i32
      %add3A_45 = arith.addi %add3A_44, %mul3A_43 : i32
      %add3A_46 = arith.constant 0 : i32
      %add3A_47 = arith.addi %add3A_45, %add3A_46 : i32
      %lt3A = arith.constant 32 : i32
      %lt3A_48 = arith.cmpi slt, %add3A_47, %lt3A : i32
      %convert_element_type3A = arith.extui %lt3A_48 : i1 to i32
      %cond3A = arith.constant 0 : i32
      %cond3A_49 = arith.cmpi ne, %convert_element_type3A, %cond3A : i32
      scf.if %cond3A_49 {
        %add3A_64 = arith.constant 1 : i32
        %add3A_65 = arith.addi %add3A_47, %add3A_64 : i32
        %lt3A_66 = arith.constant 32 : i32
        %lt3A_67 = arith.cmpi slt, %add3A_65, %lt3A_66 : i32
        %convert_element_type3A_68 = arith.extui %lt3A_67 : i1 to i32
        %cond3A_69 = arith.constant 0 : i32
        %cond3A_70 = arith.cmpi ne, %convert_element_type3A_68, %cond3A_69 : i32
        scf.if %cond3A_70 {
          %add3A_95 = arith.constant 1 : i32
          %add3A_96 = arith.addi %add3A_47, %add3A_95 : i32
          %ge3A = arith.constant 3 : i32
          %ge3A_97 = arith.cmpi sge, %add3A_96, %ge3A : i32
          %convert_element_type3A_98 = arith.extui %ge3A_97 : i1 to i32
          %cond3A_99 = arith.constant 0 : i32
          %cond3A_100 = arith.cmpi ne, %convert_element_type3A_98, %cond3A_99 : i32
          scf.if %cond3A_100 {
            %add3A_116 = arith.constant 1 : i32
            %add3A_117 = arith.addi %add3A_47, %add3A_116 : i32
            %sub3A = arith.constant 3 : i32
            %sub3A_118 = arith.subi %add3A_117, %sub3A : i32
            %mul3A_119 = arith.constant 8 : i32
            %mul3A_120 = arith.muli %sub3A_118, %mul3A_119 : i32
            %add3A_121 = arith.addi %mul3A_2, %mul3A_120 : i32
            %dma_wait3A_122 = arith.constant 0 : i32
            %dma_wait3A_123 = arith.constant 0 : i32
            %dma_wait3A_124 = tpu.memref_slice %arg4[%dma_wait3A_122, %add3A_121, %dma_wait3A_123] : memref<4x8192x1024xf32, #tpu.memory_space<hbm>> -> memref<4x8x1024xf32, #tpu.memory_space<hbm>>
            %dma_wait3A_125 = arith.constant 0 : i32
            %dma_wait3A_126 = arith.constant 0 : i32
            %dma_wait3A_127 = tpu.memref_slice %arg4[%dma_wait3A_125, %add3A_121, %dma_wait3A_126] : memref<4x8192x1024xf32, #tpu.memory_space<hbm>> -> memref<4x8x1024xf32, #tpu.memory_space<hbm>>
            tpu.wait_dma2 semaphore(%arg15 : memref<!tpu.dma_semaphore, #tpu.memory_space<semaphore_mem>>) src(%arg9 : memref<4x8x1024xf32, #tpu.memory_space<vmem>>) dst(%dma_wait3A_127 : memref<4x8x1024xf32, #tpu.memory_space<hbm>>)
          } else {
          }
          %add3A_101 = arith.constant 1 : i32
          %add3A_102 = arith.addi %add3A_47, %add3A_101 : i32
          %mul3A_103 = arith.constant 8 : i32
          %mul3A_104 = arith.muli %add3A_102, %mul3A_103 : i32
          %add3A_105 = arith.addi %mul3A_2, %mul3A_104 : i32
          %dma_start3A_106 = arith.constant 0 : i32
          %dma_start3A_107 = tpu.memref_slice %arg3[%add3A_105, %dma_start3A_106] : memref<8192x1024xf32, #tpu.memory_space<hbm>> -> memref<8x1024xf32, #tpu.memory_space<hbm>>
          %dma_start3A_108 = arith.constant 0 : i32
          %dma_start3A_109 = tpu.memref_slice %arg3[%add3A_105, %dma_start3A_108] : memref<8192x1024xf32, #tpu.memory_space<hbm>> -> memref<8x1024xf32, #tpu.memory_space<hbm>>
          tpu.enqueue_dma source(%dma_start3A_109 : memref<8x1024xf32, #tpu.memory_space<hbm>>) target(%arg6 : memref<8x1024xf32, #tpu.memory_space<vmem>>) target_semaphore(%arg12 : memref<!tpu.dma_semaphore, #tpu.memory_space<semaphore_mem>>)
          %dma_start3A_110 = arith.constant 0 : i32
          %dma_start3A_111 = arith.constant 0 : i32
          %dma_start3A_112 = tpu.memref_slice %arg2[%dma_start3A_110, %add3A_105, %dma_start3A_111] : memref<4x8192x1024xf32, #tpu.memory_space<hbm>> -> memref<4x8x1024xf32, #tpu.memory_space<hbm>>
          %dma_start3A_113 = arith.constant 0 : i32
          %dma_start3A_114 = arith.constant 0 : i32
          %dma_start3A_115 = tpu.memref_slice %arg2[%dma_start3A_113, %add3A_105, %dma_start3A_114] : memref<4x8192x1024xf32, #tpu.memory_space<hbm>> -> memref<4x8x1024xf32, #tpu.memory_space<hbm>>
          tpu.enqueue_dma source(%dma_start3A_115 : memref<4x8x1024xf32, #tpu.memory_space<hbm>>) target(%arg9 : memref<4x8x1024xf32, #tpu.memory_space<vmem>>) target_semaphore(%arg12 : memref<!tpu.dma_semaphore, #tpu.memory_space<semaphore_mem>>)
        } else {
        }
        %mul3A_71 = arith.constant 8 : i32
        %mul3A_72 = arith.muli %add3A_47, %mul3A_71 : i32
        %add3A_73 = arith.addi %mul3A_2, %mul3A_72 : i32
        %dma_wait3A_74 = arith.constant 0 : i32
        %dma_wait3A_75 = tpu.memref_slice %arg3[%add3A_73, %dma_wait3A_74] : memref<8192x1024xf32, #tpu.memory_space<hbm>> -> memref<8x1024xf32, #tpu.memory_space<hbm>>
        %dma_wait3A_76 = arith.constant 0 : i32
        %dma_wait3A_77 = tpu.memref_slice %arg3[%add3A_73, %dma_wait3A_76] : memref<8192x1024xf32, #tpu.memory_space<hbm>> -> memref<8x1024xf32, #tpu.memory_space<hbm>>
        tpu.wait_dma2 semaphore(%arg11 : memref<!tpu.dma_semaphore, #tpu.memory_space<semaphore_mem>>) src(%dma_wait3A_77 : memref<8x1024xf32, #tpu.memory_space<hbm>>) dst(%arg5 : memref<8x1024xf32, #tpu.memory_space<vmem>>)
        %dma_wait3A_78 = arith.constant 0 : i32
        %dma_wait3A_79 = arith.constant 0 : i32
        %dma_wait3A_80 = tpu.memref_slice %arg2[%dma_wait3A_78, %add3A_73, %dma_wait3A_79] : memref<4x8192x1024xf32, #tpu.memory_space<hbm>> -> memref<4x8x1024xf32, #tpu.memory_space<hbm>>
        %dma_wait3A_81 = arith.constant 0 : i32
        %dma_wait3A_82 = arith.constant 0 : i32
        %dma_wait3A_83 = tpu.memref_slice %arg2[%dma_wait3A_81, %add3A_73, %dma_wait3A_82] : memref<4x8192x1024xf32, #tpu.memory_space<hbm>> -> memref<4x8x1024xf32, #tpu.memory_space<hbm>>
        tpu.wait_dma2 semaphore(%arg11 : memref<!tpu.dma_semaphore, #tpu.memory_space<semaphore_mem>>) src(%dma_wait3A_83 : memref<4x8x1024xf32, #tpu.memory_space<hbm>>) dst(%arg8 : memref<4x8x1024xf32, #tpu.memory_space<vmem>>)
        %parallel_loop3A = arith.constant 0 : i32
        %parallel_loop3A_84 = arith.constant 512 : i32
        %parallel_loop3A_85 = arith.constant 1 : i32
        scf.for %parallel_loop3A_95 = %parallel_loop3A to %parallel_loop3A_84 step %parallel_loop3A_85  : i32 {
          %parallel_loop3A_96 = arith.constant 64 : i32
          %parallel_loop3A_97 = arith.divsi %parallel_loop3A_95, %parallel_loop3A_96 : i32
          %parallel_loop3A_98 = arith.constant 0 : i32
          %parallel_loop3A_99 = arith.cmpi sgt, %parallel_loop3A_95, %parallel_loop3A_98 : i32
          %parallel_loop3A_100 = arith.extui %parallel_loop3A_99 : i1 to i32
          %parallel_loop3A_101 = arith.constant 0 : i32
          %parallel_loop3A_102 = arith.cmpi slt, %parallel_loop3A_95, %parallel_loop3A_101 : i32
          %parallel_loop3A_103 = arith.extui %parallel_loop3A_102 : i1 to i32
          %parallel_loop3A_104 = arith.subi %parallel_loop3A_100, %parallel_loop3A_103 : i32
          %parallel_loop3A_105 = arith.constant 0 : i32
          %parallel_loop3A_106 = arith.cmpi sgt, %parallel_loop3A_96, %parallel_loop3A_105 : i32
          %parallel_loop3A_107 = arith.extui %parallel_loop3A_106 : i1 to i32
          %parallel_loop3A_108 = arith.constant 0 : i32
          %parallel_loop3A_109 = arith.cmpi slt, %parallel_loop3A_96, %parallel_loop3A_108 : i32
          %parallel_loop3A_110 = arith.extui %parallel_loop3A_109 : i1 to i32
          %parallel_loop3A_111 = arith.subi %parallel_loop3A_107, %parallel_loop3A_110 : i32
          %parallel_loop3A_112 = arith.cmpi ne, %parallel_loop3A_104, %parallel_loop3A_111 : i32
          %parallel_loop3A_113 = arith.remsi %parallel_loop3A_95, %parallel_loop3A_96 : i32
          %parallel_loop3A_114 = arith.constant 0 : i32
          %parallel_loop3A_115 = arith.cmpi ne, %parallel_loop3A_113, %parallel_loop3A_114 : i32
          %parallel_loop3A_116 = arith.andi %parallel_loop3A_112, %parallel_loop3A_115 : i1
          %parallel_loop3A_117 = arith.constant 1 : i32
          %parallel_loop3A_118 = arith.subi %parallel_loop3A_97, %parallel_loop3A_117 : i32
          %parallel_loop3A_119 = arith.select %parallel_loop3A_116, %parallel_loop3A_118, %parallel_loop3A_97 : i32
          %parallel_loop3A_120 = arith.constant 64 : i32
          %parallel_loop3A_121 = arith.constant 0 : i32
          %parallel_loop3A_122 = arith.cmpi eq, %parallel_loop3A_120, %parallel_loop3A_121 : i32
          %parallel_loop3A_123 = arith.constant 1 : i32
          %parallel_loop3A_124 = arith.select %parallel_loop3A_122, %parallel_loop3A_123, %parallel_loop3A_120 : i32
          %parallel_loop3A_125 = arith.remsi %parallel_loop3A_95, %parallel_loop3A_124 : i32
          %parallel_loop3A_126 = arith.constant 0 : i32
          %parallel_loop3A_127 = arith.cmpi ne, %parallel_loop3A_125, %parallel_loop3A_126 : i32
          %parallel_loop3A_128 = arith.constant 0 : i32
          %parallel_loop3A_129 = arith.cmpi slt, %parallel_loop3A_125, %parallel_loop3A_128 : i32
          %parallel_loop3A_130 = arith.constant 0 : i32
          %parallel_loop3A_131 = arith.cmpi slt, %parallel_loop3A_124, %parallel_loop3A_130 : i32
          %parallel_loop3A_132 = arith.xori %parallel_loop3A_129, %parallel_loop3A_131 : i1
          %parallel_loop3A_133 = arith.andi %parallel_loop3A_132, %parallel_loop3A_127 : i1
          %parallel_loop3A_134 = arith.addi %parallel_loop3A_125, %parallel_loop3A_124 : i32
          %parallel_loop3A_135 = arith.select %parallel_loop3A_133, %parallel_loop3A_134, %parallel_loop3A_125 : i32
          %parallel_loop3A_136 = arith.constant 16 : i32
          %parallel_loop3A_137 = arith.muli %parallel_loop3A_135, %parallel_loop3A_136 : i32
          %parallel_loop3A_138 = arith.index_cast %parallel_loop3A_119 : i32 to index
          %parallel_loop3A_139 = arith.index_cast %parallel_loop3A_137 : i32 to index
          %parallel_loop3A_140 = tpu.vector_load %arg5[%parallel_loop3A_138, %parallel_loop3A_139] {strides = array<i32>} : memref<8x1024xf32, #tpu.memory_space<vmem>>, vector<1x16xf32>,
          %parallel_loop3A_141 = vector.shape_cast %parallel_loop3A_140 : vector<1x16xf32> to vector<16xf32>
          %parallel_loop3A_142 = arith.constant 0 : i32
          %parallel_loop3A_143 = arith.index_cast %parallel_loop3A_142 : i32 to index
          %parallel_loop3A_144 = arith.index_cast %parallel_loop3A_119 : i32 to index
          %parallel_loop3A_145 = arith.index_cast %parallel_loop3A_137 : i32 to index
          %parallel_loop3A_146 = tpu.vector_load %arg8[%parallel_loop3A_143, %parallel_loop3A_144, %parallel_loop3A_145] {strides = array<i32>} : memref<4x8x1024xf32, #tpu.memory_space<vmem>>, vector<1x1x16xf32>,
          %parallel_loop3A_147 = vector.shape_cast %parallel_loop3A_146 : vector<1x1x16xf32> to vector<16xf32>
          %parallel_loop3A_148 = vector.shape_cast %parallel_loop3A_141 : vector<16xf32> to vector<1x1x16xf32>
          tpu.vector_store %arg8[%parallel_loop3A_143, %parallel_loop3A_144, %parallel_loop3A_145], %parallel_loop3A_148 {add = true, strides = array<i32>} : memref<4x8x1024xf32, #tpu.memory_space<vmem>>, vector<1x1x16xf32>,
          %parallel_loop3A_149 = arith.constant 1 : i32
          %parallel_loop3A_150 = arith.index_cast %parallel_loop3A_149 : i32 to index
          %parallel_loop3A_151 = arith.index_cast %parallel_loop3A_119 : i32 to index
          %parallel_loop3A_152 = arith.index_cast %parallel_loop3A_137 : i32 to index
          %parallel_loop3A_153 = tpu.vector_load %arg8[%parallel_loop3A_150, %parallel_loop3A_151, %parallel_loop3A_152] {strides = array<i32>} : memref<4x8x1024xf32, #tpu.memory_space<vmem>>, vector<1x1x16xf32>,
          %parallel_loop3A_154 = vector.shape_cast %parallel_loop3A_153 : vector<1x1x16xf32> to vector<16xf32>
          %parallel_loop3A_155 = vector.shape_cast %parallel_loop3A_141 : vector<16xf32> to vector<1x1x16xf32>
          tpu.vector_store %arg8[%parallel_loop3A_150, %parallel_loop3A_151, %parallel_loop3A_152], %parallel_loop3A_155 {add = true, strides = array<i32>} : memref<4x8x1024xf32, #tpu.memory_space<vmem>>, vector<1x1x16xf32>,
          %parallel_loop3A_156 = arith.constant 2 : i32
          %parallel_loop3A_157 = arith.index_cast %parallel_loop3A_156 : i32 to index
          %parallel_loop3A_158 = arith.index_cast %parallel_loop3A_119 : i32 to index
          %parallel_loop3A_159 = arith.index_cast %parallel_loop3A_137 : i32 to index
          %parallel_loop3A_160 = tpu.vector_load %arg8[%parallel_loop3A_157, %parallel_loop3A_158, %parallel_loop3A_159] {strides = array<i32>} : memref<4x8x1024xf32, #tpu.memory_space<vmem>>, vector<1x1x16xf32>,
          %parallel_loop3A_161 = vector.shape_cast %parallel_loop3A_160 : vector<1x1x16xf32> to vector<16xf32>
          %parallel_loop3A_162 = vector.shape_cast %parallel_loop3A_141 : vector<16xf32> to vector<1x1x16xf32>
          tpu.vector_store %arg8[%parallel_loop3A_157, %parallel_loop3A_158, %parallel_loop3A_159], %parallel_loop3A_162 {add = true, strides = array<i32>} : memref<4x8x1024xf32, #tpu.memory_space<vmem>>, vector<1x1x16xf32>,
          %parallel_loop3A_163 = arith.constant 3 : i32
          %parallel_loop3A_164 = arith.index_cast %parallel_loop3A_163 : i32 to index
          %parallel_loop3A_165 = arith.index_cast %parallel_loop3A_119 : i32 to index
          %parallel_loop3A_166 = arith.index_cast %parallel_loop3A_137 : i32 to index
          %parallel_loop3A_167 = tpu.vector_load %arg8[%parallel_loop3A_164, %parallel_loop3A_165, %parallel_loop3A_166] {strides = array<i32>} : memref<4x8x1024xf32, #tpu.memory_space<vmem>>, vector<1x1x16xf32>,
          %parallel_loop3A_168 = vector.shape_cast %parallel_loop3A_167 : vector<1x1x16xf32> to vector<16xf32>
          %parallel_loop3A_169 = vector.shape_cast %parallel_loop3A_141 : vector<16xf32> to vector<1x1x16xf32>
          tpu.vector_store %arg8[%parallel_loop3A_164, %parallel_loop3A_165, %parallel_loop3A_166], %parallel_loop3A_169 {add = true, strides = array<i32>} : memref<4x8x1024xf32, #tpu.memory_space<vmem>>, vector<1x1x16xf32>,
        } {sc.loop_unroll_factor = 4 : i64, sc.parallel_access}
        %mul3A_86 = arith.constant 8 : i32
        %mul3A_87 = arith.muli %add3A_47, %mul3A_86 : i32
        %add3A_88 = arith.addi %mul3A_2, %mul3A_87 : i32
        %dma_start3A_89 = arith.constant 0 : i32
        %dma_start3A_90 = arith.constant 0 : i32
        %dma_start3A_91 = tpu.memref_slice %arg4[%dma_start3A_89, %add3A_88, %dma_start3A_90] : memref<4x8192x1024xf32, #tpu.memory_space<hbm>> -> memref<4x8x1024xf32, #tpu.memory_space<hbm>>
        %dma_start3A_92 = arith.constant 0 : i32
        %dma_start3A_93 = arith.constant 0 : i32
        %dma_start3A_94 = tpu.memref_slice %arg4[%dma_start3A_92, %add3A_88, %dma_start3A_93] : memref<4x8192x1024xf32, #tpu.memory_space<hbm>> -> memref<4x8x1024xf32, #tpu.memory_space<hbm>>
        tpu.enqueue_dma source(%arg8 : memref<4x8x1024xf32, #tpu.memory_space<vmem>>) target(%dma_start3A_94 : memref<4x8x1024xf32, #tpu.memory_space<hbm>>) target_semaphore(%arg14 : memref<!tpu.dma_semaphore, #tpu.memory_space<semaphore_mem>>)
      } else {
      }
      %add3A_50 = arith.constant 1 : i32
      %add3A_51 = arith.addi %add3A_45, %add3A_50 : i32
      %lt3A_52 = arith.constant 32 : i32
      %lt3A_53 = arith.cmpi slt, %add3A_51, %lt3A_52 : i32
      %convert_element_type3A_54 = arith.extui %lt3A_53 : i1 to i32
      %cond3A_55 = arith.constant 0 : i32
      %cond3A_56 = arith.cmpi ne, %convert_element_type3A_54, %cond3A_55 : i32
      scf.if %cond3A_56 {
        %add3A_64 = arith.constant 1 : i32
        %add3A_65 = arith.addi %add3A_51, %add3A_64 : i32
        %lt3A_66 = arith.constant 32 : i32
        %lt3A_67 = arith.cmpi slt, %add3A_65, %lt3A_66 : i32
        %convert_element_type3A_68 = arith.extui %lt3A_67 : i1 to i32
        %cond3A_69 = arith.constant 0 : i32
        %cond3A_70 = arith.cmpi ne, %convert_element_type3A_68, %cond3A_69 : i32
        scf.if %cond3A_70 {
          %add3A_95 = arith.constant 1 : i32
          %add3A_96 = arith.addi %add3A_51, %add3A_95 : i32
          %ge3A = arith.constant 3 : i32
          %ge3A_97 = arith.cmpi sge, %add3A_96, %ge3A : i32
          %convert_element_type3A_98 = arith.extui %ge3A_97 : i1 to i32
          %cond3A_99 = arith.constant 0 : i32
          %cond3A_100 = arith.cmpi ne, %convert_element_type3A_98, %cond3A_99 : i32
          scf.if %cond3A_100 {
            %add3A_116 = arith.constant 1 : i32
            %add3A_117 = arith.addi %add3A_51, %add3A_116 : i32
            %sub3A = arith.constant 3 : i32
            %sub3A_118 = arith.subi %add3A_117, %sub3A : i32
            %mul3A_119 = arith.constant 8 : i32
            %mul3A_120 = arith.muli %sub3A_118, %mul3A_119 : i32
            %add3A_121 = arith.addi %mul3A_2, %mul3A_120 : i32
            %dma_wait3A_122 = arith.constant 0 : i32
            %dma_wait3A_123 = arith.constant 0 : i32
            %dma_wait3A_124 = tpu.memref_slice %arg4[%dma_wait3A_122, %add3A_121, %dma_wait3A_123] : memref<4x8192x1024xf32, #tpu.memory_space<hbm>> -> memref<4x8x1024xf32, #tpu.memory_space<hbm>>
            %dma_wait3A_125 = arith.constant 0 : i32
            %dma_wait3A_126 = arith.constant 0 : i32
            %dma_wait3A_127 = tpu.memref_slice %arg4[%dma_wait3A_125, %add3A_121, %dma_wait3A_126] : memref<4x8192x1024xf32, #tpu.memory_space<hbm>> -> memref<4x8x1024xf32, #tpu.memory_space<hbm>>
            tpu.wait_dma2 semaphore(%arg16 : memref<!tpu.dma_semaphore, #tpu.memory_space<semaphore_mem>>) src(%arg10 : memref<4x8x1024xf32, #tpu.memory_space<vmem>>) dst(%dma_wait3A_127 : memref<4x8x1024xf32, #tpu.memory_space<hbm>>)
          } else {
          }
          %add3A_101 = arith.constant 1 : i32
          %add3A_102 = arith.addi %add3A_51, %add3A_101 : i32
          %mul3A_103 = arith.constant 8 : i32
          %mul3A_104 = arith.muli %add3A_102, %mul3A_103 : i32
          %add3A_105 = arith.addi %mul3A_2, %mul3A_104 : i32
          %dma_start3A_106 = arith.constant 0 : i32
          %dma_start3A_107 = tpu.memref_slice %arg3[%add3A_105, %dma_start3A_106] : memref<8192x1024xf32, #tpu.memory_space<hbm>> -> memref<8x1024xf32, #tpu.memory_space<hbm>>
          %dma_start3A_108 = arith.constant 0 : i32
          %dma_start3A_109 = tpu.memref_slice %arg3[%add3A_105, %dma_start3A_108] : memref<8192x1024xf32, #tpu.memory_space<hbm>> -> memref<8x1024xf32, #tpu.memory_space<hbm>>
          tpu.enqueue_dma source(%dma_start3A_109 : memref<8x1024xf32, #tpu.memory_space<hbm>>) target(%arg7 : memref<8x1024xf32, #tpu.memory_space<vmem>>) target_semaphore(%arg13 : memref<!tpu.dma_semaphore, #tpu.memory_space<semaphore_mem>>)
          %dma_start3A_110 = arith.constant 0 : i32
          %dma_start3A_111 = arith.constant 0 : i32
          %dma_start3A_112 = tpu.memref_slice %arg2[%dma_start3A_110, %add3A_105, %dma_start3A_111] : memref<4x8192x1024xf32, #tpu.memory_space<hbm>> -> memref<4x8x1024xf32, #tpu.memory_space<hbm>>
          %dma_start3A_113 = arith.constant 0 : i32
          %dma_start3A_114 = arith.constant 0 : i32
          %dma_start3A_115 = tpu.memref_slice %arg2[%dma_start3A_113, %add3A_105, %dma_start3A_114] : memref<4x8192x1024xf32, #tpu.memory_space<hbm>> -> memref<4x8x1024xf32, #tpu.memory_space<hbm>>
          tpu.enqueue_dma source(%dma_start3A_115 : memref<4x8x1024xf32, #tpu.memory_space<hbm>>) target(%arg10 : memref<4x8x1024xf32, #tpu.memory_space<vmem>>) target_semaphore(%arg13 : memref<!tpu.dma_semaphore, #tpu.memory_space<semaphore_mem>>)
        } else {
        }
        %mul3A_71 = arith.constant 8 : i32
        %mul3A_72 = arith.muli %add3A_51, %mul3A_71 : i32
        %add3A_73 = arith.addi %mul3A_2, %mul3A_72 : i32
        %dma_wait3A_74 = arith.constant 0 : i32
        %dma_wait3A_75 = tpu.memref_slice %arg3[%add3A_73, %dma_wait3A_74] : memref<8192x1024xf32, #tpu.memory_space<hbm>> -> memref<8x1024xf32, #tpu.memory_space<hbm>>
        %dma_wait3A_76 = arith.constant 0 : i32
        %dma_wait3A_77 = tpu.memref_slice %arg3[%add3A_73, %dma_wait3A_76] : memref<8192x1024xf32, #tpu.memory_space<hbm>> -> memref<8x1024xf32, #tpu.memory_space<hbm>>
        tpu.wait_dma2 semaphore(%arg12 : memref<!tpu.dma_semaphore, #tpu.memory_space<semaphore_mem>>) src(%dma_wait3A_77 : memref<8x1024xf32, #tpu.memory_space<hbm>>) dst(%arg6 : memref<8x1024xf32, #tpu.memory_space<vmem>>)
        %dma_wait3A_78 = arith.constant 0 : i32
        %dma_wait3A_79 = arith.constant 0 : i32
        %dma_wait3A_80 = tpu.memref_slice %arg2[%dma_wait3A_78, %add3A_73, %dma_wait3A_79] : memref<4x8192x1024xf32, #tpu.memory_space<hbm>> -> memref<4x8x1024xf32, #tpu.memory_space<hbm>>
        %dma_wait3A_81 = arith.constant 0 : i32
        %dma_wait3A_82 = arith.constant 0 : i32
        %dma_wait3A_83 = tpu.memref_slice %arg2[%dma_wait3A_81, %add3A_73, %dma_wait3A_82] : memref<4x8192x1024xf32, #tpu.memory_space<hbm>> -> memref<4x8x1024xf32, #tpu.memory_space<hbm>>
        tpu.wait_dma2 semaphore(%arg12 : memref<!tpu.dma_semaphore, #tpu.memory_space<semaphore_mem>>) src(%dma_wait3A_83 : memref<4x8x1024xf32, #tpu.memory_space<hbm>>) dst(%arg9 : memref<4x8x1024xf32, #tpu.memory_space<vmem>>)
        %parallel_loop3A = arith.constant 0 : i32
        %parallel_loop3A_84 = arith.constant 512 : i32
        %parallel_loop3A_85 = arith.constant 1 : i32
        scf.for %parallel_loop3A_95 = %parallel_loop3A to %parallel_loop3A_84 step %parallel_loop3A_85  : i32 {
          %parallel_loop3A_96 = arith.constant 64 : i32
          %parallel_loop3A_97 = arith.divsi %parallel_loop3A_95, %parallel_loop3A_96 : i32
          %parallel_loop3A_98 = arith.constant 0 : i32
          %parallel_loop3A_99 = arith.cmpi sgt, %parallel_loop3A_95, %parallel_loop3A_98 : i32
          %parallel_loop3A_100 = arith.extui %parallel_loop3A_99 : i1 to i32
          %parallel_loop3A_101 = arith.constant 0 : i32
          %parallel_loop3A_102 = arith.cmpi slt, %parallel_loop3A_95, %parallel_loop3A_101 : i32
          %parallel_loop3A_103 = arith.extui %parallel_loop3A_102 : i1 to i32
          %parallel_loop3A_104 = arith.subi %parallel_loop3A_100, %parallel_loop3A_103 : i32
          %parallel_loop3A_105 = arith.constant 0 : i32
          %parallel_loop3A_106 = arith.cmpi sgt, %parallel_loop3A_96, %parallel_loop3A_105 : i32
          %parallel_loop3A_107 = arith.extui %parallel_loop3A_106 : i1 to i32
          %parallel_loop3A_108 = arith.constant 0 : i32
          %parallel_loop3A_109 = arith.cmpi slt, %parallel_loop3A_96, %parallel_loop3A_108 : i32
          %parallel_loop3A_110 = arith.extui %parallel_loop3A_109 : i1 to i32
          %parallel_loop3A_111 = arith.subi %parallel_loop3A_107, %parallel_loop3A_110 : i32
          %parallel_loop3A_112 = arith.cmpi ne, %parallel_loop3A_104, %parallel_loop3A_111 : i32
          %parallel_loop3A_113 = arith.remsi %parallel_loop3A_95, %parallel_loop3A_96 : i32
          %parallel_loop3A_114 = arith.constant 0 : i32
          %parallel_loop3A_115 = arith.cmpi ne, %parallel_loop3A_113, %parallel_loop3A_114 : i32
          %parallel_loop3A_116 = arith.andi %parallel_loop3A_112, %parallel_loop3A_115 : i1
          %parallel_loop3A_117 = arith.constant 1 : i32
          %parallel_loop3A_118 = arith.subi %parallel_loop3A_97, %parallel_loop3A_117 : i32
          %parallel_loop3A_119 = arith.select %parallel_loop3A_116, %parallel_loop3A_118, %parallel_loop3A_97 : i32
          %parallel_loop3A_120 = arith.constant 64 : i32
          %parallel_loop3A_121 = arith.constant 0 : i32
          %parallel_loop3A_122 = arith.cmpi eq, %parallel_loop3A_120, %parallel_loop3A_121 : i32
          %parallel_loop3A_123 = arith.constant 1 : i32
          %parallel_loop3A_124 = arith.select %parallel_loop3A_122, %parallel_loop3A_123, %parallel_loop3A_120 : i32
          %parallel_loop3A_125 = arith.remsi %parallel_loop3A_95, %parallel_loop3A_124 : i32
          %parallel_loop3A_126 = arith.constant 0 : i32
          %parallel_loop3A_127 = arith.cmpi ne, %parallel_loop3A_125, %parallel_loop3A_126 : i32
          %parallel_loop3A_128 = arith.constant 0 : i32
          %parallel_loop3A_129 = arith.cmpi slt, %parallel_loop3A_125, %parallel_loop3A_128 : i32
          %parallel_loop3A_130 = arith.constant 0 : i32
          %parallel_loop3A_131 = arith.cmpi slt, %parallel_loop3A_124, %parallel_loop3A_130 : i32
          %parallel_loop3A_132 = arith.xori %parallel_loop3A_129, %parallel_loop3A_131 : i1
          %parallel_loop3A_133 = arith.andi %parallel_loop3A_132, %parallel_loop3A_127 : i1
          %parallel_loop3A_134 = arith.addi %parallel_loop3A_125, %parallel_loop3A_124 : i32
          %parallel_loop3A_135 = arith.select %parallel_loop3A_133, %parallel_loop3A_134, %parallel_loop3A_125 : i32
          %parallel_loop3A_136 = arith.constant 16 : i32
          %parallel_loop3A_137 = arith.muli %parallel_loop3A_135, %parallel_loop3A_136 : i32
          %parallel_loop3A_138 = arith.index_cast %parallel_loop3A_119 : i32 to index
          %parallel_loop3A_139 = arith.index_cast %parallel_loop3A_137 : i32 to index
          %parallel_loop3A_140 = tpu.vector_load %arg6[%parallel_loop3A_138, %parallel_loop3A_139] {strides = array<i32>} : memref<8x1024xf32, #tpu.memory_space<vmem>>, vector<1x16xf32>,
          %parallel_loop3A_141 = vector.shape_cast %parallel_loop3A_140 : vector<1x16xf32> to vector<16xf32>
          %parallel_loop3A_142 = arith.constant 0 : i32
          %parallel_loop3A_143 = arith.index_cast %parallel_loop3A_142 : i32 to index
          %parallel_loop3A_144 = arith.index_cast %parallel_loop3A_119 : i32 to index
          %parallel_loop3A_145 = arith.index_cast %parallel_loop3A_137 : i32 to index
          %parallel_loop3A_146 = tpu.vector_load %arg9[%parallel_loop3A_143, %parallel_loop3A_144, %parallel_loop3A_145] {strides = array<i32>} : memref<4x8x1024xf32, #tpu.memory_space<vmem>>, vector<1x1x16xf32>,
          %parallel_loop3A_147 = vector.shape_cast %parallel_loop3A_146 : vector<1x1x16xf32> to vector<16xf32>
          %parallel_loop3A_148 = vector.shape_cast %parallel_loop3A_141 : vector<16xf32> to vector<1x1x16xf32>
          tpu.vector_store %arg9[%parallel_loop3A_143, %parallel_loop3A_144, %parallel_loop3A_145], %parallel_loop3A_148 {add = true, strides = array<i32>} : memref<4x8x1024xf32, #tpu.memory_space<vmem>>, vector<1x1x16xf32>,
          %parallel_loop3A_149 = arith.constant 1 : i32
          %parallel_loop3A_150 = arith.index_cast %parallel_loop3A_149 : i32 to index
          %parallel_loop3A_151 = arith.index_cast %parallel_loop3A_119 : i32 to index
          %parallel_loop3A_152 = arith.index_cast %parallel_loop3A_137 : i32 to index
          %parallel_loop3A_153 = tpu.vector_load %arg9[%parallel_loop3A_150, %parallel_loop3A_151, %parallel_loop3A_152] {strides = array<i32>} : memref<4x8x1024xf32, #tpu.memory_space<vmem>>, vector<1x1x16xf32>,
          %parallel_loop3A_154 = vector.shape_cast %parallel_loop3A_153 : vector<1x1x16xf32> to vector<16xf32>
          %parallel_loop3A_155 = vector.shape_cast %parallel_loop3A_141 : vector<16xf32> to vector<1x1x16xf32>
          tpu.vector_store %arg9[%parallel_loop3A_150, %parallel_loop3A_151, %parallel_loop3A_152], %parallel_loop3A_155 {add = true, strides = array<i32>} : memref<4x8x1024xf32, #tpu.memory_space<vmem>>, vector<1x1x16xf32>,
          %parallel_loop3A_156 = arith.constant 2 : i32
          %parallel_loop3A_157 = arith.index_cast %parallel_loop3A_156 : i32 to index
          %parallel_loop3A_158 = arith.index_cast %parallel_loop3A_119 : i32 to index
          %parallel_loop3A_159 = arith.index_cast %parallel_loop3A_137 : i32 to index
          %parallel_loop3A_160 = tpu.vector_load %arg9[%parallel_loop3A_157, %parallel_loop3A_158, %parallel_loop3A_159] {strides = array<i32>} : memref<4x8x1024xf32, #tpu.memory_space<vmem>>, vector<1x1x16xf32>,
          %parallel_loop3A_161 = vector.shape_cast %parallel_loop3A_160 : vector<1x1x16xf32> to vector<16xf32>
          %parallel_loop3A_162 = vector.shape_cast %parallel_loop3A_141 : vector<16xf32> to vector<1x1x16xf32>
          tpu.vector_store %arg9[%parallel_loop3A_157, %parallel_loop3A_158, %parallel_loop3A_159], %parallel_loop3A_162 {add = true, strides = array<i32>} : memref<4x8x1024xf32, #tpu.memory_space<vmem>>, vector<1x1x16xf32>,
          %parallel_loop3A_163 = arith.constant 3 : i32
          %parallel_loop3A_164 = arith.index_cast %parallel_loop3A_163 : i32 to index
          %parallel_loop3A_165 = arith.index_cast %parallel_loop3A_119 : i32 to index
          %parallel_loop3A_166 = arith.index_cast %parallel_loop3A_137 : i32 to index
          %parallel_loop3A_167 = tpu.vector_load %arg9[%parallel_loop3A_164, %parallel_loop3A_165, %parallel_loop3A_166] {strides = array<i32>} : memref<4x8x1024xf32, #tpu.memory_space<vmem>>, vector<1x1x16xf32>,
          %parallel_loop3A_168 = vector.shape_cast %parallel_loop3A_167 : vector<1x1x16xf32> to vector<16xf32>
          %parallel_loop3A_169 = vector.shape_cast %parallel_loop3A_141 : vector<16xf32> to vector<1x1x16xf32>
          tpu.vector_store %arg9[%parallel_loop3A_164, %parallel_loop3A_165, %parallel_loop3A_166], %parallel_loop3A_169 {add = true, strides = array<i32>} : memref<4x8x1024xf32, #tpu.memory_space<vmem>>, vector<1x1x16xf32>,
        } {sc.loop_unroll_factor = 4 : i64, sc.parallel_access}
        %mul3A_86 = arith.constant 8 : i32
        %mul3A_87 = arith.muli %add3A_51, %mul3A_86 : i32
        %add3A_88 = arith.addi %mul3A_2, %mul3A_87 : i32
        %dma_start3A_89 = arith.constant 0 : i32
        %dma_start3A_90 = arith.constant 0 : i32
        %dma_start3A_91 = tpu.memref_slice %arg4[%dma_start3A_89, %add3A_88, %dma_start3A_90] : memref<4x8192x1024xf32, #tpu.memory_space<hbm>> -> memref<4x8x1024xf32, #tpu.memory_space<hbm>>
        %dma_start3A_92 = arith.constant 0 : i32
        %dma_start3A_93 = arith.constant 0 : i32
        %dma_start3A_94 = tpu.memref_slice %arg4[%dma_start3A_92, %add3A_88, %dma_start3A_93] : memref<4x8192x1024xf32, #tpu.memory_space<hbm>> -> memref<4x8x1024xf32, #tpu.memory_space<hbm>>
        tpu.enqueue_dma source(%arg9 : memref<4x8x1024xf32, #tpu.memory_space<vmem>>) target(%dma_start3A_94 : memref<4x8x1024xf32, #tpu.memory_space<hbm>>) target_semaphore(%arg15 : memref<!tpu.dma_semaphore, #tpu.memory_space<semaphore_mem>>)
      } else {
      }
      %add3A_57 = arith.constant 2 : i32
      %add3A_58 = arith.addi %add3A_45, %add3A_57 : i32
      %lt3A_59 = arith.constant 32 : i32
      %lt3A_60 = arith.cmpi slt, %add3A_58, %lt3A_59 : i32
      %convert_element_type3A_61 = arith.extui %lt3A_60 : i1 to i32
      %cond3A_62 = arith.constant 0 : i32
      %cond3A_63 = arith.cmpi ne, %convert_element_type3A_61, %cond3A_62 : i32
      scf.if %cond3A_63 {
        %add3A_64 = arith.constant 1 : i32
        %add3A_65 = arith.addi %add3A_58, %add3A_64 : i32
        %lt3A_66 = arith.constant 32 : i32
        %lt3A_67 = arith.cmpi slt, %add3A_65, %lt3A_66 : i32
        %convert_element_type3A_68 = arith.extui %lt3A_67 : i1 to i32
        %cond3A_69 = arith.constant 0 : i32
        %cond3A_70 = arith.cmpi ne, %convert_element_type3A_68, %cond3A_69 : i32
        scf.if %cond3A_70 {
          %add3A_95 = arith.constant 1 : i32
          %add3A_96 = arith.addi %add3A_58, %add3A_95 : i32
          %ge3A = arith.constant 3 : i32
          %ge3A_97 = arith.cmpi sge, %add3A_96, %ge3A : i32
          %convert_element_type3A_98 = arith.extui %ge3A_97 : i1 to i32
          %cond3A_99 = arith.constant 0 : i32
          %cond3A_100 = arith.cmpi ne, %convert_element_type3A_98, %cond3A_99 : i32
          scf.if %cond3A_100 {
            %add3A_116 = arith.constant 1 : i32
            %add3A_117 = arith.addi %add3A_58, %add3A_116 : i32
            %sub3A = arith.constant 3 : i32
            %sub3A_118 = arith.subi %add3A_117, %sub3A : i32
            %mul3A_119 = arith.constant 8 : i32
            %mul3A_120 = arith.muli %sub3A_118, %mul3A_119 : i32
            %add3A_121 = arith.addi %mul3A_2, %mul3A_120 : i32
            %dma_wait3A_122 = arith.constant 0 : i32
            %dma_wait3A_123 = arith.constant 0 : i32
            %dma_wait3A_124 = tpu.memref_slice %arg4[%dma_wait3A_122, %add3A_121, %dma_wait3A_123] : memref<4x8192x1024xf32, #tpu.memory_space<hbm>> -> memref<4x8x1024xf32, #tpu.memory_space<hbm>>
            %dma_wait3A_125 = arith.constant 0 : i32
            %dma_wait3A_126 = arith.constant 0 : i32
            %dma_wait3A_127 = tpu.memref_slice %arg4[%dma_wait3A_125, %add3A_121, %dma_wait3A_126] : memref<4x8192x1024xf32, #tpu.memory_space<hbm>> -> memref<4x8x1024xf32, #tpu.memory_space<hbm>>
            tpu.wait_dma2 semaphore(%arg14 : memref<!tpu.dma_semaphore, #tpu.memory_space<semaphore_mem>>) src(%arg8 : memref<4x8x1024xf32, #tpu.memory_space<vmem>>) dst(%dma_wait3A_127 : memref<4x8x1024xf32, #tpu.memory_space<hbm>>)
          } else {
          }
          %add3A_101 = arith.constant 1 : i32
          %add3A_102 = arith.addi %add3A_58, %add3A_101 : i32
          %mul3A_103 = arith.constant 8 : i32
          %mul3A_104 = arith.muli %add3A_102, %mul3A_103 : i32
          %add3A_105 = arith.addi %mul3A_2, %mul3A_104 : i32
          %dma_start3A_106 = arith.constant 0 : i32
          %dma_start3A_107 = tpu.memref_slice %arg3[%add3A_105, %dma_start3A_106] : memref<8192x1024xf32, #tpu.memory_space<hbm>> -> memref<8x1024xf32, #tpu.memory_space<hbm>>
          %dma_start3A_108 = arith.constant 0 : i32
          %dma_start3A_109 = tpu.memref_slice %arg3[%add3A_105, %dma_start3A_108] : memref<8192x1024xf32, #tpu.memory_space<hbm>> -> memref<8x1024xf32, #tpu.memory_space<hbm>>
          tpu.enqueue_dma source(%dma_start3A_109 : memref<8x1024xf32, #tpu.memory_space<hbm>>) target(%arg5 : memref<8x1024xf32, #tpu.memory_space<vmem>>) target_semaphore(%arg11 : memref<!tpu.dma_semaphore, #tpu.memory_space<semaphore_mem>>)
          %dma_start3A_110 = arith.constant 0 : i32
          %dma_start3A_111 = arith.constant 0 : i32
          %dma_start3A_112 = tpu.memref_slice %arg2[%dma_start3A_110, %add3A_105, %dma_start3A_111] : memref<4x8192x1024xf32, #tpu.memory_space<hbm>> -> memref<4x8x1024xf32, #tpu.memory_space<hbm>>
          %dma_start3A_113 = arith.constant 0 : i32
          %dma_start3A_114 = arith.constant 0 : i32
          %dma_start3A_115 = tpu.memref_slice %arg2[%dma_start3A_113, %add3A_105, %dma_start3A_114] : memref<4x8192x1024xf32, #tpu.memory_space<hbm>> -> memref<4x8x1024xf32, #tpu.memory_space<hbm>>
          tpu.enqueue_dma source(%dma_start3A_115 : memref<4x8x1024xf32, #tpu.memory_space<hbm>>) target(%arg8 : memref<4x8x1024xf32, #tpu.memory_space<vmem>>) target_semaphore(%arg11 : memref<!tpu.dma_semaphore, #tpu.memory_space<semaphore_mem>>)
        } else {
        }
        %mul3A_71 = arith.constant 8 : i32
        %mul3A_72 = arith.muli %add3A_58, %mul3A_71 : i32
        %add3A_73 = arith.addi %mul3A_2, %mul3A_72 : i32
        %dma_wait3A_74 = arith.constant 0 : i32
        %dma_wait3A_75 = tpu.memref_slice %arg3[%add3A_73, %dma_wait3A_74] : memref<8192x1024xf32, #tpu.memory_space<hbm>> -> memref<8x1024xf32, #tpu.memory_space<hbm>>
        %dma_wait3A_76 = arith.constant 0 : i32
        %dma_wait3A_77 = tpu.memref_slice %arg3[%add3A_73, %dma_wait3A_76] : memref<8192x1024xf32, #tpu.memory_space<hbm>> -> memref<8x1024xf32, #tpu.memory_space<hbm>>
        tpu.wait_dma2 semaphore(%arg13 : memref<!tpu.dma_semaphore, #tpu.memory_space<semaphore_mem>>) src(%dma_wait3A_77 : memref<8x1024xf32, #tpu.memory_space<hbm>>) dst(%arg7 : memref<8x1024xf32, #tpu.memory_space<vmem>>)
        %dma_wait3A_78 = arith.constant 0 : i32
        %dma_wait3A_79 = arith.constant 0 : i32
        %dma_wait3A_80 = tpu.memref_slice %arg2[%dma_wait3A_78, %add3A_73, %dma_wait3A_79] : memref<4x8192x1024xf32, #tpu.memory_space<hbm>> -> memref<4x8x1024xf32, #tpu.memory_space<hbm>>
        %dma_wait3A_81 = arith.constant 0 : i32
        %dma_wait3A_82 = arith.constant 0 : i32
        %dma_wait3A_83 = tpu.memref_slice %arg2[%dma_wait3A_81, %add3A_73, %dma_wait3A_82] : memref<4x8192x1024xf32, #tpu.memory_space<hbm>> -> memref<4x8x1024xf32, #tpu.memory_space<hbm>>
        tpu.wait_dma2 semaphore(%arg13 : memref<!tpu.dma_semaphore, #tpu.memory_space<semaphore_mem>>) src(%dma_wait3A_83 : memref<4x8x1024xf32, #tpu.memory_space<hbm>>) dst(%arg10 : memref<4x8x1024xf32, #tpu.memory_space<vmem>>)
        %parallel_loop3A = arith.constant 0 : i32
        %parallel_loop3A_84 = arith.constant 512 : i32
        %parallel_loop3A_85 = arith.constant 1 : i32
        scf.for %parallel_loop3A_95 = %parallel_loop3A to %parallel_loop3A_84 step %parallel_loop3A_85  : i32 {
          %parallel_loop3A_96 = arith.constant 64 : i32
          %parallel_loop3A_97 = arith.divsi %parallel_loop3A_95, %parallel_loop3A_96 : i32
          %parallel_loop3A_98 = arith.constant 0 : i32
          %parallel_loop3A_99 = arith.cmpi sgt, %parallel_loop3A_95, %parallel_loop3A_98 : i32
          %parallel_loop3A_100 = arith.extui %parallel_loop3A_99 : i1 to i32
          %parallel_loop3A_101 = arith.constant 0 : i32
          %parallel_loop3A_102 = arith.cmpi slt, %parallel_loop3A_95, %parallel_loop3A_101 : i32
          %parallel_loop3A_103 = arith.extui %parallel_loop3A_102 : i1 to i32
          %parallel_loop3A_104 = arith.subi %parallel_loop3A_100, %parallel_loop3A_103 : i32
          %parallel_loop3A_105 = arith.constant 0 : i32
          %parallel_loop3A_106 = arith.cmpi sgt, %parallel_loop3A_96, %parallel_loop3A_105 : i32
          %parallel_loop3A_107 = arith.extui %parallel_loop3A_106 : i1 to i32
          %parallel_loop3A_108 = arith.constant 0 : i32
          %parallel_loop3A_109 = arith.cmpi slt, %parallel_loop3A_96, %parallel_loop3A_108 : i32
          %parallel_loop3A_110 = arith.extui %parallel_loop3A_109 : i1 to i32
          %parallel_loop3A_111 = arith.subi %parallel_loop3A_107, %parallel_loop3A_110 : i32
          %parallel_loop3A_112 = arith.cmpi ne, %parallel_loop3A_104, %parallel_loop3A_111 : i32
          %parallel_loop3A_113 = arith.remsi %parallel_loop3A_95, %parallel_loop3A_96 : i32
          %parallel_loop3A_114 = arith.constant 0 : i32
          %parallel_loop3A_115 = arith.cmpi ne, %parallel_loop3A_113, %parallel_loop3A_114 : i32
          %parallel_loop3A_116 = arith.andi %parallel_loop3A_112, %parallel_loop3A_115 : i1
          %parallel_loop3A_117 = arith.constant 1 : i32
          %parallel_loop3A_118 = arith.subi %parallel_loop3A_97, %parallel_loop3A_117 : i32
          %parallel_loop3A_119 = arith.select %parallel_loop3A_116, %parallel_loop3A_118, %parallel_loop3A_97 : i32
          %parallel_loop3A_120 = arith.constant 64 : i32
          %parallel_loop3A_121 = arith.constant 0 : i32
          %parallel_loop3A_122 = arith.cmpi eq, %parallel_loop3A_120, %parallel_loop3A_121 : i32
          %parallel_loop3A_123 = arith.constant 1 : i32
          %parallel_loop3A_124 = arith.select %parallel_loop3A_122, %parallel_loop3A_123, %parallel_loop3A_120 : i32
          %parallel_loop3A_125 = arith.remsi %parallel_loop3A_95, %parallel_loop3A_124 : i32
          %parallel_loop3A_126 = arith.constant 0 : i32
          %parallel_loop3A_127 = arith.cmpi ne, %parallel_loop3A_125, %parallel_loop3A_126 : i32
          %parallel_loop3A_128 = arith.constant 0 : i32
          %parallel_loop3A_129 = arith.cmpi slt, %parallel_loop3A_125, %parallel_loop3A_128 : i32
          %parallel_loop3A_130 = arith.constant 0 : i32
          %parallel_loop3A_131 = arith.cmpi slt, %parallel_loop3A_124, %parallel_loop3A_130 : i32
          %parallel_loop3A_132 = arith.xori %parallel_loop3A_129, %parallel_loop3A_131 : i1
          %parallel_loop3A_133 = arith.andi %parallel_loop3A_132, %parallel_loop3A_127 : i1
          %parallel_loop3A_134 = arith.addi %parallel_loop3A_125, %parallel_loop3A_124 : i32
          %parallel_loop3A_135 = arith.select %parallel_loop3A_133, %parallel_loop3A_134, %parallel_loop3A_125 : i32
          %parallel_loop3A_136 = arith.constant 16 : i32
          %parallel_loop3A_137 = arith.muli %parallel_loop3A_135, %parallel_loop3A_136 : i32
          %parallel_loop3A_138 = arith.index_cast %parallel_loop3A_119 : i32 to index
          %parallel_loop3A_139 = arith.index_cast %parallel_loop3A_137 : i32 to index
          %parallel_loop3A_140 = tpu.vector_load %arg7[%parallel_loop3A_138, %parallel_loop3A_139] {strides = array<i32>} : memref<8x1024xf32, #tpu.memory_space<vmem>>, vector<1x16xf32>,
          %parallel_loop3A_141 = vector.shape_cast %parallel_loop3A_140 : vector<1x16xf32> to vector<16xf32>
          %parallel_loop3A_142 = arith.constant 0 : i32
          %parallel_loop3A_143 = arith.index_cast %parallel_loop3A_142 : i32 to index
          %parallel_loop3A_144 = arith.index_cast %parallel_loop3A_119 : i32 to index
          %parallel_loop3A_145 = arith.index_cast %parallel_loop3A_137 : i32 to index
          %parallel_loop3A_146 = tpu.vector_load %arg10[%parallel_loop3A_143, %parallel_loop3A_144, %parallel_loop3A_145] {strides = array<i32>} : memref<4x8x1024xf32, #tpu.memory_space<vmem>>, vector<1x1x16xf32>,
          %parallel_loop3A_147 = vector.shape_cast %parallel_loop3A_146 : vector<1x1x16xf32> to vector<16xf32>
          %parallel_loop3A_148 = vector.shape_cast %parallel_loop3A_141 : vector<16xf32> to vector<1x1x16xf32>
          tpu.vector_store %arg10[%parallel_loop3A_143, %parallel_loop3A_144, %parallel_loop3A_145], %parallel_loop3A_148 {add = true, strides = array<i32>} : memref<4x8x1024xf32, #tpu.memory_space<vmem>>, vector<1x1x16xf32>,
          %parallel_loop3A_149 = arith.constant 1 : i32
          %parallel_loop3A_150 = arith.index_cast %parallel_loop3A_149 : i32 to index
          %parallel_loop3A_151 = arith.index_cast %parallel_loop3A_119 : i32 to index
          %parallel_loop3A_152 = arith.index_cast %parallel_loop3A_137 : i32 to index
          %parallel_loop3A_153 = tpu.vector_load %arg10[%parallel_loop3A_150, %parallel_loop3A_151, %parallel_loop3A_152] {strides = array<i32>} : memref<4x8x1024xf32, #tpu.memory_space<vmem>>, vector<1x1x16xf32>,
          %parallel_loop3A_154 = vector.shape_cast %parallel_loop3A_153 : vector<1x1x16xf32> to vector<16xf32>
          %parallel_loop3A_155 = vector.shape_cast %parallel_loop3A_141 : vector<16xf32> to vector<1x1x16xf32>
          tpu.vector_store %arg10[%parallel_loop3A_150, %parallel_loop3A_151, %parallel_loop3A_152], %parallel_loop3A_155 {add = true, strides = array<i32>} : memref<4x8x1024xf32, #tpu.memory_space<vmem>>, vector<1x1x16xf32>,
          %parallel_loop3A_156 = arith.constant 2 : i32
          %parallel_loop3A_157 = arith.index_cast %parallel_loop3A_156 : i32 to index
          %parallel_loop3A_158 = arith.index_cast %parallel_loop3A_119 : i32 to index
          %parallel_loop3A_159 = arith.index_cast %parallel_loop3A_137 : i32 to index
          %parallel_loop3A_160 = tpu.vector_load %arg10[%parallel_loop3A_157, %parallel_loop3A_158, %parallel_loop3A_159] {strides = array<i32>} : memref<4x8x1024xf32, #tpu.memory_space<vmem>>, vector<1x1x16xf32>,
          %parallel_loop3A_161 = vector.shape_cast %parallel_loop3A_160 : vector<1x1x16xf32> to vector<16xf32>
          %parallel_loop3A_162 = vector.shape_cast %parallel_loop3A_141 : vector<16xf32> to vector<1x1x16xf32>
          tpu.vector_store %arg10[%parallel_loop3A_157, %parallel_loop3A_158, %parallel_loop3A_159], %parallel_loop3A_162 {add = true, strides = array<i32>} : memref<4x8x1024xf32, #tpu.memory_space<vmem>>, vector<1x1x16xf32>,
          %parallel_loop3A_163 = arith.constant 3 : i32
          %parallel_loop3A_164 = arith.index_cast %parallel_loop3A_163 : i32 to index
          %parallel_loop3A_165 = arith.index_cast %parallel_loop3A_119 : i32 to index
          %parallel_loop3A_166 = arith.index_cast %parallel_loop3A_137 : i32 to index
          %parallel_loop3A_167 = tpu.vector_load %arg10[%parallel_loop3A_164, %parallel_loop3A_165, %parallel_loop3A_166] {strides = array<i32>} : memref<4x8x1024xf32, #tpu.memory_space<vmem>>, vector<1x1x16xf32>,
          %parallel_loop3A_168 = vector.shape_cast %parallel_loop3A_167 : vector<1x1x16xf32> to vector<16xf32>
          %parallel_loop3A_169 = vector.shape_cast %parallel_loop3A_141 : vector<16xf32> to vector<1x1x16xf32>
          tpu.vector_store %arg10[%parallel_loop3A_164, %parallel_loop3A_165, %parallel_loop3A_166], %parallel_loop3A_169 {add = true, strides = array<i32>} : memref<4x8x1024xf32, #tpu.memory_space<vmem>>, vector<1x1x16xf32>,
        } {sc.loop_unroll_factor = 4 : i64, sc.parallel_access}
        %mul3A_86 = arith.constant 8 : i32
        %mul3A_87 = arith.muli %add3A_58, %mul3A_86 : i32
        %add3A_88 = arith.addi %mul3A_2, %mul3A_87 : i32
        %dma_start3A_89 = arith.constant 0 : i32
        %dma_start3A_90 = arith.constant 0 : i32
        %dma_start3A_91 = tpu.memref_slice %arg4[%dma_start3A_89, %add3A_88, %dma_start3A_90] : memref<4x8192x1024xf32, #tpu.memory_space<hbm>> -> memref<4x8x1024xf32, #tpu.memory_space<hbm>>
        %dma_start3A_92 = arith.constant 0 : i32
        %dma_start3A_93 = arith.constant 0 : i32
        %dma_start3A_94 = tpu.memref_slice %arg4[%dma_start3A_92, %add3A_88, %dma_start3A_93] : memref<4x8192x1024xf32, #tpu.memory_space<hbm>> -> memref<4x8x1024xf32, #tpu.memory_space<hbm>>
        tpu.enqueue_dma source(%arg10 : memref<4x8x1024xf32, #tpu.memory_space<vmem>>) target(%dma_start3A_94 : memref<4x8x1024xf32, #tpu.memory_space<hbm>>) target_semaphore(%arg16 : memref<!tpu.dma_semaphore, #tpu.memory_space<semaphore_mem>>)
      } else {
      }
    }
    %scan3A_17 = arith.constant 11 : i32
    %add3A_18 = arith.constant 232 : i32
    %add3A_19 = arith.addi %mul3A_2, %add3A_18 : i32
    %dma_wait3A = arith.constant 0 : i32
    %dma_wait3A_20 = arith.constant 0 : i32
    %dma_wait3A_21 = tpu.memref_slice %arg4[%dma_wait3A, %add3A_19, %dma_wait3A_20] : memref<4x8192x1024xf32, #tpu.memory_space<hbm>> -> memref<4x8x1024xf32, #tpu.memory_space<hbm>>
    %dma_wait3A_22 = arith.constant 0 : i32
    %dma_wait3A_23 = arith.constant 0 : i32
    %dma_wait3A_24 = tpu.memref_slice %arg4[%dma_wait3A_22, %add3A_19, %dma_wait3A_23] : memref<4x8192x1024xf32, #tpu.memory_space<hbm>> -> memref<4x8x1024xf32, #tpu.memory_space<hbm>>
    tpu.wait_dma2 semaphore(%arg16 : memref<!tpu.dma_semaphore, #tpu.memory_space<semaphore_mem>>) src(%arg10 : memref<4x8x1024xf32, #tpu.memory_space<vmem>>) dst(%dma_wait3A_24 : memref<4x8x1024xf32, #tpu.memory_space<hbm>>)
    %add3A_25 = arith.constant 240 : i32
    %add3A_26 = arith.addi %mul3A_2, %add3A_25 : i32
    %dma_wait3A_27 = arith.constant 0 : i32
    %dma_wait3A_28 = arith.constant 0 : i32
    %dma_wait3A_29 = tpu.memref_slice %arg4[%dma_wait3A_27, %add3A_26, %dma_wait3A_28] : memref<4x8192x1024xf32, #tpu.memory_space<hbm>> -> memref<4x8x1024xf32, #tpu.memory_space<hbm>>
    %dma_wait3A_30 = arith.constant 0 : i32
    %dma_wait3A_31 = arith.constant 0 : i32
    %dma_wait3A_32 = tpu.memref_slice %arg4[%dma_wait3A_30, %add3A_26, %dma_wait3A_31] : memref<4x8192x1024xf32, #tpu.memory_space<hbm>> -> memref<4x8x1024xf32, #tpu.memory_space<hbm>>
    tpu.wait_dma2 semaphore(%arg14 : memref<!tpu.dma_semaphore, #tpu.memory_space<semaphore_mem>>) src(%arg8 : memref<4x8x1024xf32, #tpu.memory_space<vmem>>) dst(%dma_wait3A_32 : memref<4x8x1024xf32, #tpu.memory_space<hbm>>)
    %add3A_33 = arith.constant 248 : i32
    %add3A_34 = arith.addi %mul3A_2, %add3A_33 : i32
    %dma_wait3A_35 = arith.constant 0 : i32
    %dma_wait3A_36 = arith.constant 0 : i32
    %dma_wait3A_37 = tpu.memref_slice %arg4[%dma_wait3A_35, %add3A_34, %dma_wait3A_36] : memref<4x8192x1024xf32, #tpu.memory_space<hbm>> -> memref<4x8x1024xf32, #tpu.memory_space<hbm>>
    %dma_wait3A_38 = arith.constant 0 : i32
    %dma_wait3A_39 = arith.constant 0 : i32
    %dma_wait3A_40 = tpu.memref_slice %arg4[%dma_wait3A_38, %add3A_34, %dma_wait3A_39] : memref<4x8192x1024xf32, #tpu.memory_space<hbm>> -> memref<4x8x1024xf32, #tpu.memory_space<hbm>>
    tpu.wait_dma2 semaphore(%arg15 : memref<!tpu.dma_semaphore, #tpu.memory_space<semaphore_mem>>) src(%arg9 : memref<4x8x1024xf32, #tpu.memory_space<vmem>>) dst(%dma_wait3A_40 : memref<4x8x1024xf32, #tpu.memory_space<hbm>>)
    return
  }
}

</mosaic_0001>

<sc_bundles>
// kernel: kernel.3.cloned.1.call-start
scs
__scs_entry_jumppad:
0x0: {  	(pc) =	sbr.rel $0x88, $3  }
0x1: {  	(tag) =	ssettag $0x0;
	lr =	simm.s32 $0x1  }
0x2: {  	[smem:$0x3F9F] =	sst lr;
	_ =	strace $0xD0000000  }
0x3: {  	_ = 	snop  }
0x4: {  	_ = 	snop  }
0x5: {  	_ = 	snop  }
0x6: {  	_ = 	snop  }
0x7: {  	_ = 	snop  }
__scs_overlays_trampoline_lowered:
0x8: {  	[smem:$0x3FAE] =	sst s0  }
0x9: {  	[smem:$0x3FAF] =	sst s1  }
0xa: {  	[smem:$0x3FB0] =	sst s2  }
0xb: {  	[smem:$0x3FB1] =	sst s3  }
0xc: {  	[smem:$0x3FB2] =	sst s4  }
0xd: {  	[smem:$0x3FB3] =	sst s5  }
0xe: {  	[smem:$0x3FB4] =	sst s6  }
0xf: {  	[smem:$0x3FB5] =	sst s7  }
0x10: {  	[smem:$0x3FB6] =	sst s8  }
0x11: {  	[smem:$0x3FB7] =	sst s9;
	s0 =	simm.s32 @!p0 $0x0  }
0x12: {  	s1 =	sld [smem:$0x3F9D];
	s0 =	simm.s32 @p0 $0x1  }
0x13: {  	[smem:$0x3FB8] =	sst s0;
	s0 =	simm.s32 @!p1 $0x0  }
0x14: {  	s2 =	sld [smem:$0x3F9C];
	s0 =	simm.s32 @p1 $0x1  }
0x15: {  	[smem:$0x3FB9] =	sst s0;
	s0 =	simm.s32 @!p2 $0x0  }
0x16: {  	s3 =	sld [smem:$0x3FDB];
	s0 =	simm.s32 @p2 $0x1  }
0x17: {  	s4 =	simm.s32 $0x1BF5;
	[smem:$0x3FBB] =	sst s0  }
0x18: {  	s0 =	sld [smem:$0x3F9E];
	_ =	swait.ge [sflag:s4], $0x0  }
0x19: {  	s7 =	sld [smem:$0x3F9F]  }
0x1a: {  	s8 =	sadd.s32 $0xFFFFE003, lr  }
0x1b: {  	s9 =	sadd.s32 $0xFFFFFEF7, lr;
	s5 =	simm.s32 $0xFFFFFFFF;
	p2 =	slt.u32 s8, $0xFFFFF086  }
0x1c: {  	p1 =	slt.u32 s9, $0xF7A;
	s5 =	simm.s32 @!p2 $0x0  }
0x1d: {  	s5 =	simm.s32 @p1 $0x1;
	p0 =	seq.s32 s7, s2  }
0x1e: {  	s7 =	smul.u32 @!p0 $0xF7A, s2;
	p2 =	seq.s32 @!p0 s5, $0x0  }
0x1f: {  	s9 =	smul.u32 $0xF7A, s1;
	s8 =	simm.s32 @!p0 $0x1BF5;
	p2 =	por !p2, p0  }
0x20: {  	[sflag:s8] =	ssyncset.s32 @!p0 $0xFFFFF086;
	s6 =	sadd.s32 @!p0 s3, s7;
	s7 =	simm.s32 @!p0 $0x108  }
0x21: {  	s3 =	sadd.s32 s3, s9;
	s6 =	sadd.s32 @!p0 $0x88, s6;
	s7 =	simm.s32 @p2 $0x1082  }
0x22: {  	[simem:s7], [sflag:s8] =	dma.local @!p0 [hbm:s6], $0xF7A  }
0x23: {  	s9 =	sor.u32 $0xD0000000, s2;
	s6 =	simm.s32 $0x108;
	_ =	swait.ge @!p0 [sflag:s8], $0x0  }
0x24: {  	s3 =	sadd.s32 $0x88, s3;
	s6 =	simm.s32 @!p1 $0x1082;
	[sflag:s4] =	ssyncset.s32 $0xFFFFF086  }
0x25: {  	[simem:s6], [sflag:s4] =	dma.local [hbm:s3], $0xF7A  }
0x26: {  	[smem:$0x3F9F] =	sst s1;
	(tag) =	ssettag s2;
	_ =	strace s9  }
0x27: {  	s1 =	sld [smem:$0x3FAF]  }
0x28: {  	s2 =	sld [smem:$0x3FB0]  }
0x29: {  	s4 =	sld [smem:$0x3FB2]  }
0x2a: {  	p0 =	seq.s32 s5, $0x0;
	s5 =	sld [smem:$0x3FB3]  }
0x2b: {  	s6 =	sld [smem:$0x3FB4]  }
0x2c: {  	s7 =	sld [smem:$0x3FB5]  }
0x2d: {  	s3 =	simm.s32 $0x108;
	s8 =	sld [smem:$0x3FB6]  }
0x2e: {  	s3 =	simm.s32 @!p0 $0x1082;
	s9 =	sld [smem:$0x3FB7]  }
0x2f: {  	lr =	sadd.s32 s0, s3;
	s0 =	sld [smem:$0x3FAE]  }
0x30: {  	s3 =	sld [smem:$0x3FB1]  }
0x31: {  	[smem:$0x3FBA] =	sst s10  }
0x32: {  	s10 =	sld [smem:$0x3FB8];
	_ =	sdelay $0x3  }
0x33: {  	p0 =	seq.s32 s10, $0x1;
	s10 =	sld [smem:$0x3FBA];
	_ =	sdelay $0x3  }
0x34: {  	[smem:$0x3FBA] =	sst s10  }
0x35: {  	s10 =	sld [smem:$0x3FB9];
	_ =	sdelay $0x3  }
0x36: {  	p1 =	seq.s32 s10, $0x1;
	s10 =	sld [smem:$0x3FBA];
	_ =	sdelay $0x3  }
0x37: {  	[smem:$0x3FBA] =	sst s10  }
0x38: {  	s10 =	sld [smem:$0x3FBB]  }
0x39: {  	_ = 	snop;
	(pc) =	sbr.ind lr, $3  }
0x3a: {  	_ = 	snop  }
0x3b: {  	_ = 	snop  }
0x3c: {  	p2 =	seq.s32 s10, $0x1;
	s10 =	sld [smem:$0x3FBA]  }
0x3d: {  	_ =	shalt  }
0x3e: {  	_ =	shalt  }
0x3f: {  	_ =	shalt  }
0x40: {  	_ =	shalt  }
0x41: {  	_ =	shalt  }
0x42: {  	_ =	shalt  }
0x43: {  	_ =	shalt  }
0x44: {  	_ =	shalt  }
0x45: {  	_ =	shalt  }
0x46: {  	_ =	shalt  }
0x47: {  	_ =	shalt  }
0x48: {  	_ =	shalt  }
0x49: {  	_ =	shalt  }
0x4a: {  	_ =	shalt  }
0x4b: {  	_ =	shalt  }
0x4c: {  	_ =	shalt  }
0x4d: {  	_ =	shalt  }
0x4e: {  	_ =	shalt  }
0x4f: {  	_ =	shalt  }
0x50: {  	_ =	shalt  }
0x51: {  	_ =	shalt  }
0x52: {  	_ =	shalt  }
0x53: {  	_ =	shalt  }
0x54: {  	_ =	shalt  }
0x55: {  	_ =	shalt  }
0x56: {  	_ =	shalt  }
0x57: {  	_ =	shalt  }
0x58: {  	_ =	shalt  }
0x59: {  	_ =	shalt  }
0x5a: {  	_ =	shalt  }
0x5b: {  	_ =	shalt  }
0x5c: {  	_ =	shalt  }
0x5d: {  	_ =	shalt  }
0x5e: {  	_ =	shalt  }
0x5f: {  	_ =	shalt  }
0x60: {  	_ =	shalt  }
0x61: {  	_ =	shalt  }
0x62: {  	_ =	shalt  }
0x63: {  	_ =	shalt  }
0x64: {  	_ =	shalt  }
0x65: {  	_ =	shalt  }
0x66: {  	_ =	shalt  }
0x67: {  	_ =	shalt  }
0x68: {  	_ =	shalt  }
0x69: {  	_ =	shalt  }
0x6a: {  	_ =	shalt  }
0x6b: {  	_ =	shalt  }
0x6c: {  	_ =	shalt  }
0x6d: {  	_ =	shalt  }
0x6e: {  	_ =	shalt  }
0x6f: {  	_ =	shalt  }
0x70: {  	_ =	shalt  }
0x71: {  	_ =	shalt  }
0x72: {  	_ =	shalt  }
0x73: {  	_ =	shalt  }
0x74: {  	_ =	shalt  }
0x75: {  	_ =	shalt  }
0x76: {  	_ =	shalt  }
0x77: {  	_ =	shalt  }
0x78: {  	_ =	shalt  }
0x79: {  	_ =	shalt  }
0x7a: {  	_ =	shalt  }
0x7b: {  	_ =	shalt  }
0x7c: {  	_ =	shalt  }
0x7d: {  	_ =	shalt  }
0x7e: {  	_ =	shalt  }
0x7f: {  	_ =	shalt  }
0x80: {  	_ =	shalt  }
0x81: {  	_ =	shalt  }
0x82: {  	_ =	shalt  }
0x83: {  	_ =	shalt  }
0x84: {  	_ =	shalt  }
0x85: {  	_ =	shalt  }
0x86: {  	_ =	shalt  }
0x87: {  	_ =	shalt  }
.Lfunc_end0:
.L_simem_size_0:
called_computation_lowered:
.L_overlay_start_0:
0x88: {  	s2 =	sld [smem:$0x3FD9]  }
0x89: {  	s3 =	sld [smem:$0x3FFE];
	_ =	sdelay $0x1  }
0x8a: {  	s1 =	srdreg.scid  }
0x8b: {  	s0 =	sand.u32 $0x1, s1  }
0x8c: {  	s18 =	sshll.u32 s0, $0xA;
	s2 =	sadd.s32 s3, s2  }
0x8d: {  	s2 =	sadd.s32 s2, s18  }
0x8e: {  	[smem:$0x3FC6] =	sst s2  }
0x8f: {  	_ = 	snop  }
0x90: {  	s2 =	sld [smem:$0x3FC9]  }
0x91: {  	s19 =	sld [smem:$0x3FC8]  }
0x92: {  	s4 =	sld [smem:$0x3FD0];
	(tm) =	ssettm $0x1  }
0x93: {  	s5 =	sld [smem:$0x3FFB];
	_ =	sdelay $0x3  }
0x94: {  	_ =	strace s5  }
0x95: {  	s5 =	sld [smem:$0x3FFC];
	_ =	sdelay $0x3  }
0x96: {  	_ =	strace s5  }
0x97: {  	s5 =	sld [smem:$0x3FFD];
	_ =	sdelay $0x3  }
0x98: {  	_ =	strace s5  }
0x99: {  	_ =	strace $0x8FFFFFFF  }
0x9a: {  	s20 =	sld [smem:$0x3FDB];
	_ =	sdelay $0x1  }
0x9b: {  	s6 =	simm.s32 $_scs_section_size  }
0x9c: {  	s7 =	simm.s32 $_size__tile_overlayer_lowered;
	s8 =	simm.s32 $_tile_overlayer_lowered  }
0x9d: {  	s23 =	simm.s32 $0x1BFF;
	s22 =	sshll.u32 s8, $0x1;
	s5 =	sadd.s32 s6, s20  }
0x9e: {  	s9 =	simm.s32 $0x0;
	s21 =	sshll.u32 s7, $0x1;
	s7 =	sadd.s32 s22, s5  }
0x9f: {  	[timem:s9], [sflag:s23] =	dma.local [hbm:s7], s21  }
0xa0: {  	_ =	swait.ge [sflag:s23], s21  }
0xa1: {  	s6 =	ssub.s32 $0x0, s21;
	[sflag:s23] =	ssyncset.done $0x0  }
0xa2: {  	[sflag:s23] =	ssyncadd.s32 s6;
	_ =	sdelay $0x1  }
0xa3: {  	s24 =	simm.s32 $0x1B8B  }
0xa4: {  	_ =	swait.ge [sflag:s24], $0x1  }
0xa5: {  	[sflag:s24] =	ssyncset.done $0x0  }
0xa6: {  	s25 =	simm.s32 $0x1B8E;
	[sflag:s24] =	ssyncadd.s32 $0xFFFFFFFF  }
0xa7: {  	s26 =	simm.s32 $execute0_lowered;
	[smem:$0x3FD2] =	sst s25  }
0xa8: {  	s6 =	sshll.u32 s26, $0x1;
	_ =	strace $0x80000046;
	[dreg:$0x1] =	wrdreg $0xFFFFFFFF  }
0xa9: {  	s28 =	simm.s32 $_size_execute0_lowered;
	s5 =	sadd.s32 s5, s6;
	[dreg:$0x0] =	wrdreg $0x0  }
0xaa: {  	s6 =	sshll.u32 s28, $0x1;
	[dreg:$0x2] =	wrdreg s5  }
0xab: {  	[dreg:$0x3] =	wrdreg s6  }
0xac: {  	[dreg:$0x4] =	wrdreg $0xC0  }
0xad: {  	_ =	task [dreg:s9], $0x5FFFF  }
0xae: {  	[dreg:$0x1] =	wrdreg $0xFFFFFFFF  }
0xaf: {  	[dreg:$0x0] =	wrdreg $0x60  }
0xb0: {  	[dreg:$0x2] =	wrdreg s2  }
0xb1: {  	[dreg:$0x3] =	wrdreg s19  }
0xb2: {  	[dreg:$0x4] =	wrdreg s4  }
0xb3: {  	[dreg:$0x5] =	wrdreg $0x9  }
0xb4: {  	_ =	task.clear_ibuf [dreg:s9], $0x6FFFF;
	_ =	strace $0x90000046  }
0xb5: {  	s29 =	simm.s32 $0x9;
	_ =	strace $0x80000048  }
0xb6: {  	_ =	swait.ge [sflag:s29], $0x1  }
0xb7: {  	[sflag:s29] =	ssyncadd.s32 $0xFFFFFFFF  }
0xb8: {  	_ =	strace $0x90000048  }
0xb9: {  	_ =	sfence  }
0xba: {  	s30 =	sld [smem:$0x0];
	_ =	sdelay $0x2  }
0xbb: {  	s31 =	sshll.u32 s1, $0xD;
	s1 =	sshrl.u32 s1, $0x2  }
0xbc: {  	s3 =	sand.u32 $0x4000, s31;
	s1 =	sadd.s32 s1, s30  }
0xbd: {  	s0 =	sor.u32 s3, s0;
	s1 =	sshll.u32 s1, $0x11  }
0xbe: {  	s0 =	sor.u32 s1, s0  }
0xbf: {  	s0 =	sadd.s32 $0x8F2B, s0  }
0xc0: {  	[sflag:s0] =	ssyncadd.remote.s32 $0x1  }
0xc1: {  	_ =	sfence.sel $0xFFFF  }
0xc2: {  	[dreg:$0x0] =	wrdreg $0xFFFFFFFF;
	(pc) =	sbr.abs _section_cstart, $3  }
0xc3: {  	[dreg:$0x1] =	wrdreg $0xFFFFFFFF  }
0xc4: {  	_ =	task.clear_ibuf [dreg:s9], $0x2FFFF;
	_ =	strace $0x9FFFFFFF  }
0xc5: {  	(tm) =	ssettm $0x7FFFFFFF  }
tec
execute0_lowered:
.L_overlay_start_1:
0x0: {  	(tag) =	ssettag $0x1  }
0x1: {  	s1 =	rddreg [dreg:$0x0]  }
0x2: {  	s2 =	rddreg [dreg:$0x1];
	s3 =	simm.s32 $0x0  }
0x3: {  	s0 =	srdreg.scid;
	s26 =	stileid.u32;
	s13 =	simm.s32 $0x2000  }
0x4: {  	s14 =	simm.s32 $0x800000;
	s25 =	simm.s32 $0xE000;
	s0 =	sand.u32 $0x1, s0  }
0x5: {  	s6 =	sshll.u32 s26, $0x8;
	s4 =	ssub.s32 $0x2, s0;
	s0 =	sshll.u32 s0, $0xC  }
0x6: {  	[smem:$0x7FF] =	sst s3;
	s7 =	sshrl.u32 s4, $0x1;
	s3 =	sor.u32 s6, s0  }
0x7: {  	_ =	strace $0x80000047;
	s28 =	ssub.s32 s4, s7;
	s29 =	sshll.u32 s3, $0x7  }
0x8: {  	[dreg:$0x4] =	wrdreg s3;
	s7 =	sshrl.u32 s3, $0x3;
	s2 =	sadd.s32 s2, s29  }
.Ltmp0:
0x9: {  	s1 =	sadd.s32 s1, s29;
	[dreg:$0x5] =	wrdreg s2;
	(pc) =	sbr.rel .LBB2_1-.Ltmp0, $4  }
0xa: {  	s17 =	simm.s32 $0x1;
	s30 =	sor.u32 $0x1, s7;
	[dreg:$0x6] =	wrdreg s1  }
0xb: {  	s20 =	simm.s32 $0x2;
	s31 =	sor.u32 $0x3, s7;
	[dreg:$0x7] =	wrdreg s30  }
0xc: {  	s22 =	simm.s32 $0x4;
	s0 =	smax.u32 s28, $0x1;
	[dreg:$0x8] =	wrdreg s31  }
0xd: {  	s24 =	simm.s32 $0x3;
	[dreg:$0x9] =	wrdreg s0;
	s2 =	simm.s32 $0x0  }
.LBB2_14:
0xe: {  	s0 =	simm.s32 $0x6  }
0xf: {  	_ =	swait.ge [sflag:s0], $0x8000  }
0x10: {  	[sflag:s0] =	ssyncset.done $0x0  }
0x11: {  	[sflag:s0] =	ssyncadd.s32 $0xFFFF8000  }
0x12: {  	_ =	swait.ge [sflag:s22], $0x8000  }
0x13: {  	[sflag:s22] =	ssyncset.done $0x0  }
0x14: {  	s1 =	simm.s32 $0x5;
	[sflag:s22] =	ssyncadd.s32 $0xFFFF8000  }
0x15: {  	_ =	swait.ge [sflag:s1], $0x8000  }
0x16: {  	s2 =	rddreg [dreg:$0xa]  }
0x17: {  	s31 =	rddreg [dreg:$0x9];
	s2 =	sadd.s32 $0x1, s2  }
0x18: {  	p0 =	sne.s32 s2, s31  }
.Ltmp1:
0x19: {  	_ = 	snop;
	(pc) =	sbr.rel @!p0 .LBB2_15-.Ltmp1, $3  }
0x1a: {  	_ =	sdelay $0x1  }
0x1b: {  	[sflag:s1] =	ssyncset.done $0x0  }
0x1c: {  	[sflag:s1] =	ssyncadd.s32 $0xFFFF8000  }
.LBB2_1:
0x1d: {  	[dreg:$0xa] =	wrdreg s2  }
0x1e: {  	s0 =	simm.s32 $0x0;
	s1 =	rddreg [dreg:$0x5]  }
0x1f: {  	[tilespmem:s0], [sflag:$0x1] =	stream.linear.gather [hbm4b:s1+s0], $0x2000, $0x38;
	[tilespmem:$0x1E000] =	vst v63  }
0x20: {  	s30 =	rddreg [dreg:$0x6];
	s31 =	simm.s32 $0x6000;
	s26 =	simm.s32 $0x0  }
0x21: {  	[tilespmem:s31], [sflag:$0x1] =	stream.strided.gather [hbm4b:s30+s13], $0x8000, s14, s13, $0x38;
	[tilespmem:$0x1E000] =	vst v63  }
.LBB2_2:
0x22: {  	p0 =	seq.s32 s26, $0x0  }
0x23: {  	s0 =	simm.s32 @!p0 $0x5  }
0x24: {  	s28 =	smul.u32 $0x3, s26;
	_ =	swait.ge @!p0 [sflag:s0], $0x8000  }
0x25: {  	s1 =	rddreg [dreg:$0x7];
	[sflag:s0] =	ssyncset.done @!p0 $0x0  }
0x26: {  	s4 =	sadd.s32 s28, s1;
	[sflag:s0] =	ssyncadd.s32 @!p0 $0xFFFF8000  }
0x27: {  	s30 =	sshll.u32 s4, $0xA;
	s0 =	rddreg [dreg:$0x1]  }
0x28: {  	s23 =	simm.s32 $0x0;
	s1 =	rddreg [dreg:$0x0];
	s0 =	sadd.s32 s0, s30  }
0x29: {  	[tilespmem:s13], [sflag:$0x2] =	stream.linear.gather [hbm4b:s0+s23], $0x2000, $0x38;
	[tilespmem:$0x1E000] =	vst v63  }
0x2a: {  	s0 =	sadd.s32 s1, s30  }
0x2b: {  	[tilespmem:s25], [sflag:$0x2] =	stream.strided.gather [hbm4b:s0+s13], $0x8000, s14, s13, $0x38;
	[tilespmem:$0x1E000] =	vst v63  }
0x2c: {  	_ =	swait.ge [sflag:s17], $0x2000  }
0x2d: {  	[sflag:s17] =	ssyncset.done $0x0  }
0x2e: {  	s2 =	sand.u32 $0x40, s23;
	[sflag:s17] =	ssyncadd.s32 $0xFFFFE000  }
0x2f: {  	s8 =	sand.u32 $0x1C00, s23;
	s4 =	sand.u32 $0x380, s23;
	_ =	swait.ge [sflag:s17], $0x8000  }
0x30: {  	s3 =	sor.u32 $0x30, s2;
	s4 =	sor.u32 s4, s8;
	[sflag:s17] =	ssyncset.done $0x0  }
0x31: {  	s9 =	sor.u32 s3, s4;
	[sflag:s17] =	ssyncadd.s32 $0xFFFF8000  }
0x32: {  	s12 =	sor.u32 $0x10, s2;
	s23 =	sor.u32 s2, s4;
	v1 =	vld [tilespmem:s9+$0x0]  }
0x33: {  	s29 =	sor.u32 s12, s4;
	v2 =	vld [tilespmem:s23+$0x0]  }
0x34: {  	s6 =	sor.u32 $0x20, s2;
	v3 =	vld [tilespmem:s29+$0x0]  }
0x35: {  	s31 =	sor.u32 s6, s4  }
0x36: {  	v0 =	vld [tilespmem:s31+$0x0];
	s9 =	sor.u32 $0x6000, s9  }
0x37: {  	s15 =	sor.u32 $0x6000, s23;
	[tilespmem:s9+$0x0] =	vst.add.f32.msk $0xffff, v1  }
0x38: {  	s18 =	sor.u32 $0x8000, s4;
	s21 =	sor.u32 $0x6000, s29;
	[tilespmem:s15+$0x0] =	vst.add.f32.msk $0xffff, v2  }
0x39: {  	s10 =	sor.u32 s3, s18;
	[tilespmem:s21+$0x0] =	vst.add.f32.msk $0xffff, v3  }
0x3a: {  	s16 =	sor.u32 s2, s18;
	[tilespmem:s10+$0x0] =	vst.add.f32.msk $0xffff, v1  }
0x3b: {  	s5 =	sor.u32 $0xA000, s4;
	s23 =	sor.u32 s12, s18;
	[tilespmem:s16+$0x0] =	vst.add.f32.msk $0xffff, v2  }
0x3c: {  	s11 =	sor.u32 s3, s5;
	[tilespmem:s23+$0x0] =	vst.add.f32.msk $0xffff, v3  }
0x3d: {  	s4 =	sor.u32 $0xC000, s4;
	s19 =	sor.u32 s2, s5;
	[tilespmem:s11+$0x0] =	vst.add.f32.msk $0xffff, v1  }
0x3e: {  	s8 =	sor.u32 s3, s4;
	[tilespmem:s19+$0x0] =	vst.add.f32.msk $0xffff, v2  }
0x3f: {  	s0 =	sor.u32 s2, s4;
	s29 =	simm.s32 $0x0;
	[tilespmem:s8+$0x0] =	vst.add.f32.msk $0xffff, v1  }
0x40: {  	s21 =	sor.u32 s12, s4;
	[tilespmem:s0+$0x0] =	vst.add.f32.msk $0xffff, v2;
	s8 =	sor.u32 $0x6000, s31;
	s31 =	sor.u32 s12, s5  }
0x41: {  	s9 =	sor.u32 s6, s4;
	s4 =	simm.s32 $0x8;
	s23 =	sor.u32 s6, s18;
	[tilespmem:s31+$0x0] =	vst.add.f32.msk $0xffff, v3  }
0x42: {  	s12 =	sor.u32 s6, s5;
	s0 =	simm.s32 $0x200;
	s31 =	simm.s32 $0x40;
	[tilespmem:s21+$0x0] =	vst.add.f32.msk $0xffff, v3  }
.LBB2_3:
0x43: {  	s5 =	sand.u32 $0x40, s31;
	s18 =	sand.u32 $0x1C00, s0;
	s21 =	sand.u32 $0x380, s4;
	[tilespmem:s8+$0x0] =	vst.add.f32.msk $0xffff, v0  }
0x44: {  	s18 =	sor.u32 s21, s18;
	s21 =	sor.u32 $0x10, s5;
	s25 =	sor.u32 $0x30, s5;
	[tilespmem:s23+$0x0] =	vst.add.f32.msk $0xffff, v0  }
0x45: {  	s19 =	sor.u32 $0x20, s5;
	s8 =	sor.u32 s5, s18;
	s23 =	sor.u32 s25, s18;
	[tilespmem:s12+$0x0] =	vst.add.f32.msk $0xffff, v0  }
0x46: {  	s29 =	sadd.s32 $0x4, s29;
	s12 =	sor.u32 s21, s18;
	s11 =	sor.u32 s19, s18;
	v1 =	vld [tilespmem:s23+$0x0]  }
0x47: {  	p1 =	slt.u32 s29, $0x1FC;
	s6 =	sor.u32 $0x6000, s8;
	s10 =	sor.u32 $0x6000, s12;
	v2 =	vld [tilespmem:s8+$0x0]  }
0x48: {  	s8 =	sor.u32 $0x6000, s11;
	v3 =	vld [tilespmem:s12+$0x0]  }
0x49: {  	v4 =	vld [tilespmem:s11+$0x0]  }
0x4a: {  	s12 =	sor.u32 $0x6000, s23;
	s11 =	sor.u32 $0x8000, s18;
	[tilespmem:s9+$0x0] =	vst.add.f32.msk $0xffff, v0  }
0x4b: {  	s15 =	sor.u32 s5, s11;
	s9 =	sor.u32 $0xA000, s18;
	[tilespmem:s12+$0x0] =	vst.add.f32.msk $0xffff, v1;
	s12 =	sor.u32 s25, s11  }
0x4c: {  	s18 =	sor.u32 $0xC000, s18;
	s16 =	sor.u32 s5, s9;
	[tilespmem:s12+$0x0] =	vst.add.f32.msk $0xffff, v1;
	s12 =	sor.u32 s25, s9  }
0x4d: {  	s1 =	sor.u32 s21, s11;
	s5 =	sor.u32 s5, s18;
	[tilespmem:s12+$0x0] =	vst.add.f32.msk $0xffff, v1;
	s12 =	sor.u32 s25, s18  }
0x4e: {  	s23 =	sor.u32 s19, s11;
	s25 =	sor.u32 s21, s9;
	s21 =	sor.u32 s21, s18;
	[tilespmem:s12+$0x0] =	vst.add.f32.msk $0xffff, v1;
	v0 =	vmov v4  }
0x4f: {  	s12 =	sor.u32 s19, s9;
	s9 =	sor.u32 s19, s18;
	[tilespmem:s6+$0x0] =	vst.add.f32.msk $0xffff, v2  }
0x50: {  	[tilespmem:s15+$0x0] =	vst.add.f32.msk $0xffff, v2  }
0x51: {  	[tilespmem:s16+$0x0] =	vst.add.f32.msk $0xffff, v2  }
.Ltmp2:
0x52: {  	[tilespmem:s5+$0x0] =	vst.add.f32.msk $0xffff, v2;
	(pc) =	sbr.rel @p1 .LBB2_3-.Ltmp2, $4  }
0x53: {  	[tilespmem:s10+$0x0] =	vst.add.f32.msk $0xffff, v3  }
0x54: {  	[tilespmem:s1+$0x0] =	vst.add.f32.msk $0xffff, v3  }
0x55: {  	[tilespmem:s25+$0x0] =	vst.add.f32.msk $0xffff, v3  }
0x56: {  	s31 =	sadd.s32 $0x40, s31;
	s0 =	sadd.s32 $0x200, s0;
	s4 =	sadd.s32 $0x8, s4;
	[tilespmem:s21+$0x0] =	vst.add.f32.msk $0xffff, v3  }
0x57: {  	[tilespmem:s8+$0x0] =	vst.add.f32.msk $0xffff, v0  }
0x58: {  	s0 =	smul.u32 $0x18, s26;
	[tilespmem:s23+$0x0] =	vst.add.f32.msk $0xffff, v0  }
.Ltmp3:
0x59: {  	s1 =	rddreg [dreg:$0x4];
	(pc) =	sbr.rel @p0 .LBB2_7-.Ltmp3, $4  }
0x5a: {  	s0 =	sadd.s32 s1, s0  }
0x5b: {  	s25 =	rddreg [dreg:$0x2];
	[tilespmem:s12+$0x0] =	vst.add.f32.msk $0xffff, v0;
	s0 =	sshll.u32 s0, $0x7  }
0x5c: {  	s31 =	simm.s32 $0x6000;
	s29 =	sadd.s32 $0x2, s28;
	[tilespmem:s9+$0x0] =	vst.add.f32.msk $0xffff, v0;
	s0 =	sadd.s32 s25, s0  }
0x5d: {  	[hbm4b:s0+s13] =	stream.strided.scatter [tilespmem:s31], [sflag:$0x4], $0x8000, s14, s13, $0x38;
	[tilespmem:$0x1E000] =	vst v63  }
0x5e: {  	p0 =	seq.s32 s26, $0xA  }
.Ltmp4:
0x5f: {  	_ = 	snop;
	(pc) =	sbr.rel @p0 .LBB2_8-.Ltmp4, $1  }
0x60: {  	_ =	sdelay $0x3  }
0x61: {  	s0 =	simm.s32 $0x6  }
0x62: {  	_ =	swait.ge [sflag:s0], $0x8000  }
0x63: {  	[sflag:s0] =	ssyncset.done $0x0  }
0x64: {  	[sflag:s0] =	ssyncadd.s32 $0xFFFF8000  }
.LBB2_7:
0x65: {  	s0 =	sadd.s32 s7, s29  }
0x66: {  	s1 =	rddreg [dreg:$0x1];
	s2 =	simm.s32 $0x0;
	s0 =	sshll.u32 s0, $0xA  }
0x67: {  	s3 =	simm.s32 $0x4000;
	s25 =	rddreg [dreg:$0x0];
	s1 =	sadd.s32 s1, s0  }
0x68: {  	[tilespmem:s3], [sflag:$0x3] =	stream.linear.gather [hbm4b:s1+s2], $0x2000, $0x38;
	[tilespmem:$0x1E000] =	vst v63  }
0x69: {  	s31 =	simm.s32 $0x16000;
	s0 =	sadd.s32 s25, s0  }
0x6a: {  	[tilespmem:s31], [sflag:$0x3] =	stream.strided.gather [hbm4b:s0+s13], $0x8000, s14, s13, $0x38;
	[tilespmem:$0x1E000] =	vst v63  }
.LBB2_8:
0x6b: {  	_ =	swait.ge [sflag:s20], $0x2000  }
0x6c: {  	s0 =	simm.s32 $0x0;
	[sflag:s20] =	ssyncset.done $0x0  }
0x6d: {  	s1 =	sand.u32 $0x40, s0;
	[sflag:s20] =	ssyncadd.s32 $0xFFFFE000  }
0x6e: {  	s4 =	sand.u32 $0x1C00, s0;
	s0 =	sand.u32 $0x380, s0;
	_ =	swait.ge [sflag:s20], $0x8000  }
0x6f: {  	s0 =	sor.u32 s0, s4;
	s21 =	sor.u32 $0x30, s1;
	[sflag:s20] =	ssyncset.done $0x0  }
0x70: {  	s5 =	sor.u32 s21, s0;
	[sflag:s20] =	ssyncadd.s32 $0xFFFF8000  }
0x71: {  	s6 =	sor.u32 $0x10, s1;
	s8 =	sor.u32 s1, s0;
	v1 =	vld [tilespmem:s5+$0x2000]  }
0x72: {  	s9 =	sor.u32 s6, s0;
	v2 =	vld [tilespmem:s8+$0x2000]  }
0x73: {  	s10 =	sor.u32 $0x20, s1;
	v3 =	vld [tilespmem:s9+$0x2000]  }
0x74: {  	s11 =	sor.u32 s10, s0  }
0x75: {  	v0 =	vld [tilespmem:s11+$0x2000];
	s5 =	sor.u32 $0xE000, s5  }
0x76: {  	s2 =	sor.u32 $0xE000, s8;
	[tilespmem:s5+$0x0] =	vst.add.f32.msk $0xffff, v1  }
0x77: {  	s12 =	sor.u32 $0x10000, s0;
	s16 =	sor.u32 $0xE000, s9;
	[tilespmem:s2+$0x0] =	vst.add.f32.msk $0xffff, v2  }
0x78: {  	s23 =	sor.u32 s21, s12;
	[tilespmem:s16+$0x0] =	vst.add.f32.msk $0xffff, v3  }
0x79: {  	s3 =	sor.u32 s1, s12;
	[tilespmem:s23+$0x0] =	vst.add.f32.msk $0xffff, v1  }
0x7a: {  	s15 =	sor.u32 $0x12000, s0;
	s18 =	sor.u32 s6, s12;
	[tilespmem:s3+$0x0] =	vst.add.f32.msk $0xffff, v2  }
0x7b: {  	s25 =	sor.u32 s21, s15;
	[tilespmem:s18+$0x0] =	vst.add.f32.msk $0xffff, v3  }
0x7c: {  	s8 =	sor.u32 s1, s15;
	[tilespmem:s25+$0x0] =	vst.add.f32.msk $0xffff, v1  }
0x7d: {  	s0 =	sor.u32 $0x14000, s0;
	s19 =	sor.u32 s6, s15;
	[tilespmem:s8+$0x0] =	vst.add.f32.msk $0xffff, v2  }
0x7e: {  	s31 =	simm.s32 $0x0;
	s4 =	sor.u32 s21, s0;
	[tilespmem:s19+$0x0] =	vst.add.f32.msk $0xffff, v3  }
0x7f: {  	s21 =	sor.u32 s6, s0;
	s1 =	sor.u32 s1, s0;
	s9 =	sor.u32 $0xE000, s11;
	[tilespmem:s4+$0x0] =	vst.add.f32.msk $0xffff, v1  }
0x80: {  	s23 =	sor.u32 s10, s12;
	s12 =	sor.u32 s10, s0;
	s0 =	simm.s32 $0x40;
	[tilespmem:s1+$0x0] =	vst.add.f32.msk $0xffff, v2  }
0x81: {  	s25 =	sor.u32 s10, s15;
	s8 =	simm.s32 $0x8;
	[tilespmem:s21+$0x0] =	vst.add.f32.msk $0xffff, v3;
	s4 =	simm.s32 $0x200  }
.LBB2_9:
0x82: {  	s1 =	sand.u32 $0x40, s0;
	s5 =	sand.u32 $0x1C00, s4;
	s6 =	sand.u32 $0x380, s8;
	[tilespmem:s9+$0x0] =	vst.add.f32.msk $0xffff, v0  }
0x83: {  	s5 =	sor.u32 s6, s5;
	s6 =	sor.u32 $0x10, s1;
	s10 =	sor.u32 $0x30, s1;
	[tilespmem:s23+$0x0] =	vst.add.f32.msk $0xffff, v0  }
0x84: {  	s11 =	sor.u32 $0x20, s1;
	s9 =	sor.u32 s1, s5;
	s15 =	sor.u32 s10, s5;
	[tilespmem:s25+$0x0] =	vst.add.f32.msk $0xffff, v0  }
0x85: {  	s31 =	sadd.s32 $0x4, s31;
	s16 =	sor.u32 s6, s5;
	s18 =	sor.u32 s11, s5;
	v1 =	vld [tilespmem:s15+$0x2000]  }
0x86: {  	p0 =	slt.u32 s31, $0x1FC;
	s19 =	sor.u32 $0xE000, s9;
	s21 =	sor.u32 $0xE000, s16;
	v2 =	vld [tilespmem:s9+$0x2000]  }
0x87: {  	s9 =	sor.u32 $0xE000, s18;
	v3 =	vld [tilespmem:s16+$0x2000]  }
0x88: {  	v4 =	vld [tilespmem:s18+$0x2000]  }
0x89: {  	s15 =	sor.u32 $0xE000, s15;
	s16 =	sor.u32 $0x10000, s5;
	[tilespmem:s12+$0x0] =	vst.add.f32.msk $0xffff, v0  }
0x8a: {  	s18 =	sor.u32 s1, s16;
	s12 =	sor.u32 $0x12000, s5;
	[tilespmem:s15+$0x0] =	vst.add.f32.msk $0xffff, v1;
	s15 =	sor.u32 s10, s16  }
0x8b: {  	s5 =	sor.u32 $0x14000, s5;
	s2 =	sor.u32 s1, s12;
	[tilespmem:s15+$0x0] =	vst.add.f32.msk $0xffff, v1;
	s15 =	sor.u32 s10, s12  }
0x8c: {  	s3 =	sor.u32 s6, s16;
	s1 =	sor.u32 s1, s5;
	s10 =	sor.u32 s10, s5;
	[tilespmem:s15+$0x0] =	vst.add.f32.msk $0xffff, v1  }
0x8d: {  	s23 =	sor.u32 s11, s16;
	s15 =	sor.u32 s6, s12;
	s6 =	sor.u32 s6, s5;
	[tilespmem:s10+$0x0] =	vst.add.f32.msk $0xffff, v1;
	v0 =	vmov v4  }
0x8e: {  	s25 =	sor.u32 s11, s12;
	s12 =	sor.u32 s11, s5;
	[tilespmem:s19+$0x0] =	vst.add.f32.msk $0xffff, v2  }
0x8f: {  	[tilespmem:s18+$0x0] =	vst.add.f32.msk $0xffff, v2  }
0x90: {  	[tilespmem:s2+$0x0] =	vst.add.f32.msk $0xffff, v2  }
.Ltmp5:
0x91: {  	[tilespmem:s1+$0x0] =	vst.add.f32.msk $0xffff, v2;
	(pc) =	sbr.rel @p0 .LBB2_9-.Ltmp5, $4  }
0x92: {  	[tilespmem:s21+$0x0] =	vst.add.f32.msk $0xffff, v3  }
0x93: {  	[tilespmem:s3+$0x0] =	vst.add.f32.msk $0xffff, v3  }
0x94: {  	[tilespmem:s15+$0x0] =	vst.add.f32.msk $0xffff, v3  }
0x95: {  	s0 =	sadd.s32 $0x40, s0;
	s4 =	sadd.s32 $0x200, s4;
	s8 =	sadd.s32 $0x8, s8;
	[tilespmem:s6+$0x0] =	vst.add.f32.msk $0xffff, v3  }
0x96: {  	p0 =	seq.s32 s26, $0xA  }
.Ltmp6:
0x97: {  	[tilespmem:s9+$0x0] =	vst.add.f32.msk $0xffff, v0;
	(pc) =	sbr.rel @p0 .LBB2_14-.Ltmp6, $4  }
0x98: {  	[tilespmem:s23+$0x0] =	vst.add.f32.msk $0xffff, v0  }
0x99: {  	s0 =	rddreg [dreg:$0x2];
	[tilespmem:s25+$0x0] =	vst.add.f32.msk $0xffff, v0  }
0x9a: {  	s0 =	sadd.s32 s0, s30;
	s25 =	simm.s32 $0xE000;
	[tilespmem:s12+$0x0] =	vst.add.f32.msk $0xffff, v0  }
0x9b: {  	[hbm4b:s0+s13] =	stream.strided.scatter [tilespmem:s25], [sflag:$0x5], $0x8000, s14, s13, $0x38;
	[tilespmem:$0x1E000] =	vst v63  }
0x9c: {  	_ =	swait.ge [sflag:s22], $0x8000  }
0x9d: {  	s0 =	rddreg [dreg:$0x8];
	[sflag:s22] =	ssyncset.done $0x0  }
0x9e: {  	s0 =	sadd.s32 s28, s0;
	[sflag:s22] =	ssyncadd.s32 $0xFFFF8000  }
0x9f: {  	s0 =	sshll.u32 s0, $0xA;
	s1 =	rddreg [dreg:$0x1]  }
0xa0: {  	s2 =	simm.s32 $0x0;
	s15 =	rddreg [dreg:$0x0];
	s1 =	sadd.s32 s1, s0  }
0xa1: {  	[tilespmem:s2], [sflag:$0x1] =	stream.linear.gather [hbm4b:s1+s2], $0x2000, $0x38;
	[tilespmem:$0x1E000] =	vst v63  }
0xa2: {  	s16 =	simm.s32 $0x6000;
	s0 =	sadd.s32 s15, s0  }
0xa3: {  	[tilespmem:s16], [sflag:$0x1] =	stream.strided.gather [hbm4b:s0+s13], $0x8000, s14, s13, $0x38;
	[tilespmem:$0x1E000] =	vst v63  }
0xa4: {  	_ =	swait.ge [sflag:s24], $0x2000  }
0xa5: {  	[sflag:s24] =	ssyncset.done $0x0  }
0xa6: {  	s18 =	sand.u32 $0x40, s2;
	[sflag:s24] =	ssyncadd.s32 $0xFFFFE000  }
0xa7: {  	s19 =	sand.u32 $0x1C00, s2;
	s2 =	sand.u32 $0x380, s2;
	_ =	swait.ge [sflag:s24], $0x8000  }
0xa8: {  	s21 =	sor.u32 $0x30, s18;
	s1 =	sor.u32 s2, s19;
	[sflag:s24] =	ssyncset.done $0x0  }
0xa9: {  	s3 =	sor.u32 s21, s1;
	[sflag:s24] =	ssyncadd.s32 $0xFFFF8000  }
0xaa: {  	s4 =	sor.u32 $0x10, s18;
	s5 =	sor.u32 s18, s1;
	v1 =	vld [tilespmem:s3+$0x4000]  }
0xab: {  	s8 =	sor.u32 s4, s1;
	v2 =	vld [tilespmem:s5+$0x4000]  }
0xac: {  	s6 =	sor.u32 $0x20, s18;
	v3 =	vld [tilespmem:s8+$0x4000]  }
0xad: {  	s9 =	sor.u32 s6, s1  }
0xae: {  	s10 =	sor.u32 $0x18000, s1;
	s11 =	sor.u32 $0x1A000, s1;
	v0 =	vld [tilespmem:s9+$0x4000];
	s3 =	sor.u32 $0x16000, s3  }
0xaf: {  	s1 =	sor.u32 $0x1C000, s1;
	s12 =	sor.u32 $0x16000, s5;
	s15 =	sor.u32 s18, s10;
	[tilespmem:s3+$0x0] =	vst.add.f32.msk $0xffff, v1  }
0xb0: {  	s16 =	sor.u32 s18, s11;
	s0 =	sor.u32 s18, s1;
	s18 =	sor.u32 $0x16000, s8;
	[tilespmem:s12+$0x0] =	vst.add.f32.msk $0xffff, v2  }
0xb1: {  	s23 =	sor.u32 s21, s10;
	[tilespmem:s18+$0x0] =	vst.add.f32.msk $0xffff, v3  }
0xb2: {  	[tilespmem:s23+$0x0] =	vst.add.f32.msk $0xffff, v1  }
0xb3: {  	s19 =	sor.u32 s4, s10;
	[tilespmem:s15+$0x0] =	vst.add.f32.msk $0xffff, v2  }
0xb4: {  	s31 =	sor.u32 s21, s11;
	[tilespmem:s19+$0x0] =	vst.add.f32.msk $0xffff, v3  }
0xb5: {  	[tilespmem:s31+$0x0] =	vst.add.f32.msk $0xffff, v1  }
0xb6: {  	s2 =	sor.u32 s21, s1;
	s21 =	sor.u32 s4, s11;
	[tilespmem:s16+$0x0] =	vst.add.f32.msk $0xffff, v2  }
0xb7: {  	[tilespmem:s21+$0x0] =	vst.add.f32.msk $0xffff, v3  }
0xb8: {  	s28 =	simm.s32 $0x0;
	s30 =	sor.u32 s6, s1;
	s9 =	sor.u32 $0x16000, s9;
	[tilespmem:s2+$0x0] =	vst.add.f32.msk $0xffff, v1  }
0xb9: {  	s8 =	simm.s32 $0x8;
	s12 =	sor.u32 s6, s11;
	s31 =	sor.u32 s4, s1;
	[tilespmem:s0+$0x0] =	vst.add.f32.msk $0xffff, v2  }
0xba: {  	s23 =	sor.u32 s6, s10;
	s4 =	simm.s32 $0x200;
	[tilespmem:s31+$0x0] =	vst.add.f32.msk $0xffff, v3;
	s0 =	simm.s32 $0x40  }
.LBB2_12:
0xbb: {  	s1 =	sand.u32 $0x40, s0;
	s2 =	sand.u32 $0x1C00, s4;
	s3 =	sand.u32 $0x380, s8;
	[tilespmem:s9+$0x0] =	vst.add.f32.msk $0xffff, v0  }
0xbc: {  	s2 =	sor.u32 s3, s2;
	s3 =	sor.u32 $0x10, s1;
	s5 =	sor.u32 $0x30, s1;
	[tilespmem:s23+$0x0] =	vst.add.f32.msk $0xffff, v0  }
0xbd: {  	s10 =	sor.u32 $0x20, s1;
	s6 =	sor.u32 s1, s2;
	s11 =	sor.u32 s5, s2;
	[tilespmem:s12+$0x0] =	vst.add.f32.msk $0xffff, v0  }
0xbe: {  	s28 =	sadd.s32 $0x4, s28;
	s9 =	sor.u32 s3, s2;
	s12 =	sor.u32 s10, s2;
	v1 =	vld [tilespmem:s11+$0x4000]  }
0xbf: {  	p0 =	slt.u32 s28, $0x1FC;
	s15 =	sor.u32 $0x16000, s9;
	v2 =	vld [tilespmem:s6+$0x4000];
	s6 =	sor.u32 $0x16000, s6  }
0xc0: {  	v3 =	vld [tilespmem:s9+$0x4000];
	s9 =	sor.u32 $0x16000, s12  }
0xc1: {  	v4 =	vld [tilespmem:s12+$0x4000]  }
0xc2: {  	s11 =	sor.u32 $0x16000, s11;
	s12 =	sor.u32 $0x18000, s2;
	[tilespmem:s30+$0x0] =	vst.add.f32.msk $0xffff, v0  }
0xc3: {  	s18 =	sor.u32 $0x1A000, s2;
	s16 =	sor.u32 s1, s12;
	[tilespmem:s11+$0x0] =	vst.add.f32.msk $0xffff, v1;
	s11 =	sor.u32 s5, s12  }
0xc4: {  	s19 =	sor.u32 s1, s18;
	s2 =	sor.u32 $0x1C000, s2;
	[tilespmem:s11+$0x0] =	vst.add.f32.msk $0xffff, v1;
	s11 =	sor.u32 s5, s18  }
0xc5: {  	s1 =	sor.u32 s1, s2;
	s21 =	sor.u32 s3, s12;
	s5 =	sor.u32 s5, s2;
	[tilespmem:s11+$0x0] =	vst.add.f32.msk $0xffff, v1  }
0xc6: {  	s23 =	sor.u32 s10, s12;
	s11 =	sor.u32 s3, s18;
	s3 =	sor.u32 s3, s2;
	[tilespmem:s5+$0x0] =	vst.add.f32.msk $0xffff, v1;
	v0 =	vmov v4  }
0xc7: {  	s30 =	sor.u32 s10, s2;
	s12 =	sor.u32 s10, s18;
	[tilespmem:s6+$0x0] =	vst.add.f32.msk $0xffff, v2  }
0xc8: {  	[tilespmem:s16+$0x0] =	vst.add.f32.msk $0xffff, v2  }
0xc9: {  	[tilespmem:s19+$0x0] =	vst.add.f32.msk $0xffff, v2  }
.Ltmp7:
0xca: {  	[tilespmem:s1+$0x0] =	vst.add.f32.msk $0xffff, v2;
	(pc) =	sbr.rel @p0 .LBB2_12-.Ltmp7, $4  }
0xcb: {  	[tilespmem:s15+$0x0] =	vst.add.f32.msk $0xffff, v3  }
0xcc: {  	[tilespmem:s21+$0x0] =	vst.add.f32.msk $0xffff, v3  }
0xcd: {  	[tilespmem:s11+$0x0] =	vst.add.f32.msk $0xffff, v3  }
0xce: {  	s0 =	sadd.s32 $0x40, s0;
	s4 =	sadd.s32 $0x200, s4;
	s8 =	sadd.s32 $0x8, s8;
	[tilespmem:s3+$0x0] =	vst.add.f32.msk $0xffff, v3  }
.Ltmp8:
0xcf: {  	[tilespmem:s9+$0x0] =	vst.add.f32.msk $0xffff, v0;
	(pc) =	sbr.rel .LBB2_2-.Ltmp8, $4  }
0xd0: {  	s0 =	sadd.s32 s7, s29;
	[tilespmem:s23+$0x0] =	vst.add.f32.msk $0xffff, v0  }
0xd1: {  	s1 =	rddreg [dreg:$0x2];
	s0 =	sshll.u32 s0, $0xA;
	[tilespmem:s12+$0x0] =	vst.add.f32.msk $0xffff, v0  }
0xd2: {  	s31 =	simm.s32 $0x16000;
	s26 =	sadd.s32 $0x1, s26;
	s0 =	sadd.s32 s1, s0;
	[tilespmem:s30+$0x0] =	vst.add.f32.msk $0xffff, v0  }
0xd3: {  	[hbm4b:s0+s13] =	stream.strided.scatter [tilespmem:s31], [sflag:$0x6], $0x8000, s14, s13, $0x38;
	[tilespmem:$0x1E000] =	vst v63  }
.LBB2_15:
0xd4: {  	_ =	sfence.sel $0x180000  }
0xd5: {  	[bflag:$0x0] =	sbarrier.arrive $0xFFFF  }
0xd6: {  	_ =	strace $0x90000047  }
0xd7: {  	s0 =	stileid.u32;
	[bflag:$0x2] =	sbarrier.arrive $0xFFFF  }
0xd8: {  	p0 =	sne.s32 s0, $0x0;
	s0 =	rddreg [dreg:$0x3]  }
0xd9: {  	s0 =	sadd.s32 @!p0 $0x100000, s0  }
0xda: {  	[sflag:s0] =	ssyncadd.tile.s32 @!p0 $0x1;
	_ =	shalt  }
.Lfunc_end2:
_tile_overlayer_lowered:
.L_overlay_start_2:
0xdb: {  	(tag) =	ssettag $0x2  }
0xdc: {  	s0 =	rddreg [dreg:$0x0];
	s2 =	stileid.u32  }
0xdd: {  	s1 =	rddreg [dreg:$0x1];
	p0 =	sne.s32 s2, $0x0  }
0xde: {  	s3 =	rddreg [dreg:$0x2];
	[bflag:$0x3] =	sbarrier.arrive $0xFFFF;
	s2 =	simm.s32 @!p0 $0x1C07  }
0xdf: {  	[timem:s3], [sflag:s2] =	dma.local @!p0 [hbm:s0], s1  }
0xe0: {  	s0 =	simm.s32 @!p0 $0x7  }
0xe1: {  	_ =	swait.ge @!p0 [sflag:s0], s1  }
0xe2: {  	s1 =	ssub.s32 @!p0 $0x0, s1;
	[sflag:s0] =	ssyncset.done @!p0 $0x0  }
0xe3: {  	[sflag:s0] =	ssyncadd.s32 @!p0 s1  }
0xe4: {  	[bflag:$0x3] =	sbarrier.arrive $0xFFFF  }
0xe5: {  	_ =	shalt  }

</sc_bundles>
